<compile_context>
chip_gen: v7x
topology: tpu7x:2x2x1
jax: 0.10.2.dev20260603
libtpu: 0.0.44.dev20260713+nightly
codegen_flags: <defaults>
</compile_context>

<pallas_src>
import jax
import jax.numpy as jnp
from jax import lax
from jax.experimental import pallas as pl
from jax.experimental.pallas import tpu as pltpu
from jax.experimental.pallas import tpu_sc as plsc

N = 10000
H = 5000
E = 320000
D = 128

NC, NS = 2, 16
NW = NC * NS
C = 128
NCHUNK = 79
EPT = NCHUNK * C
E_PAD = NW * EPT
NDST_E = 5120
RPT_E = NDST_E // NS
NDST_V = 10112
RPT_V = NDST_V // NS

_MESH = plsc.VectorSubcoreMesh(core_axis_name="c", subcore_axis_name="s")


def _make_seg_sum(n_dst, rpt):

    def body(table, src_idx, dst_idx, zeros, out, src_v, dst_v, rows_v, accum,
             sem):
        c = lax.axis_index("c")
        s = lax.axis_index("s")
        wid = s * NC + c
        pltpu.sync_copy(src_idx.at[wid], src_v)
        pltpu.sync_copy(dst_idx.at[wid], dst_v)
        pltpu.sync_copy(zeros.at[pl.ds(0, rpt)], accum.at[pl.ds(s * rpt, rpt)])
        plsc.subcore_barrier()

        def chunk(j, carry):
            pltpu.async_copy(table.at[src_v.at[j]], rows_v, sem).wait()
            pltpu.sync_copy(rows_v, accum.at[dst_v.at[j]], add=True)
            return carry

        lax.fori_loop(0, NCHUNK, chunk, 0)
        plsc.subcore_barrier()
        pltpu.sync_copy(accum.at[pl.ds(s * rpt, rpt)],
                        out.at[c, pl.ds(s * rpt, rpt)])

    return pl.kernel(
        body,
        out_type=jax.ShapeDtypeStruct((NC, n_dst, D), jnp.float32),
        mesh=_MESH,
        scratch_types=[
            pltpu.VMEM((NCHUNK, C), jnp.int32),
            pltpu.VMEM((NCHUNK, C), jnp.int32),
            pltpu.VMEM((C, D), jnp.float32),
            pltpu.VMEM_SHARED((n_dst, D), jnp.float32),
            pltpu.SemaphoreType.DMA,
        ],
    )


_seg_v = _make_seg_sum(NDST_V, RPT_V)

_seg_e = _make_seg_sum(NDST_E, RPT_E)


def _make_ones_scatter(n_dst, rpt, w):

    def body(dst_idx, ones, zeros, out, dst_v, ones_v, accum):
        c = lax.axis_index("c")
        s = lax.axis_index("s")
        wid = s * NC + c
        pltpu.sync_copy(dst_idx.at[wid], dst_v)
        pltpu.sync_copy(ones, ones_v)
        pltpu.sync_copy(zeros.at[pl.ds(0, rpt)], accum.at[pl.ds(s * rpt, rpt)])
        plsc.subcore_barrier()

        def chunk(j, carry):
            pltpu.sync_copy(ones_v, accum.at[dst_v.at[j]], add=True)
            return carry

        lax.fori_loop(0, NCHUNK, chunk, 0)
        plsc.subcore_barrier()
        pltpu.sync_copy(accum.at[pl.ds(s * rpt, rpt)],
                        out.at[c, pl.ds(s * rpt, rpt)])

    return pl.kernel(
        body,
        out_type=jax.ShapeDtypeStruct((NC, n_dst, w), jnp.float32),
        mesh=_MESH,
        scratch_types=[
            pltpu.VMEM((NCHUNK, C), jnp.int32),
            pltpu.VMEM((C, w), jnp.float32),
            pltpu.VMEM_SHARED((n_dst, w), jnp.float32),
        ],
    )


DEGW = 128
_deg_e = _make_ones_scatter(NDST_E, RPT_E, DEGW)
_deg_v = _make_ones_scatter(NDST_V, RPT_V, DEGW)


def _mm_body(s_ref, d_ref, wv_ref, bv_ref, we_ref, o_ref):
    s = s_ref[0] + s_ref[1]
    deg = jnp.maximum(d_ref[0, :, 0:1] + d_ref[1, :, 0:1], 1.0)
    xe = jnp.dot(s / deg, wv_ref[...], preferred_element_type=jnp.float32)
    xe = jnp.maximum(xe + bv_ref[...], 0.0)
    o_ref[...] = jnp.dot(xe, we_ref[...], preferred_element_type=jnp.float32)


_mm = pl.pallas_call(
    _mm_body, out_shape=jax.ShapeDtypeStruct((NDST_E, D), jnp.float32))


def _node_relu_body(s_ref, d_ref, b_ref, o_ref):
    s = s_ref[0] + s_ref[1]
    deg = jnp.maximum(d_ref[0, :, 0:1] + d_ref[1, :, 0:1], 1.0)
    o_ref[...] = jnp.maximum(s / deg + b_ref[...], 0.0)[:N]


_node_relu = pl.pallas_call(
    _node_relu_body, out_shape=jax.ShapeDtypeStruct((N, D), jnp.float32))


def _node_body(s_ref, d_ref, b_ref, o_ref):
    s = s_ref[0] + s_ref[1]
    deg = jnp.maximum(d_ref[0, :, 0:1] + d_ref[1, :, 0:1], 1.0)
    o_ref[...] = (s / deg + b_ref[...])[:N]


_node = pl.pallas_call(
    _node_body, out_shape=jax.ShapeDtypeStruct((N, D), jnp.float32))


def kernel(x, edge_index, edge_weight,
           W_v2e1, b_v2e1, W_e2v1, b_e2v1,
           W_v2e2, b_v2e2, W_e2v2, b_e2v2):
    del edge_weight
    v = edge_index[0].astype(jnp.int32)
    e = edge_index[1].astype(jnp.int32)
    pad = E_PAD - E
    vsrc = jnp.concatenate([v, jnp.zeros((pad,), jnp.int32)]).reshape(NW, NCHUNK, C)
    esrc = jnp.concatenate([e, jnp.zeros((pad,), jnp.int32)]).reshape(NW, NCHUNK, C)
    vdst = jnp.concatenate([v, jnp.full((pad,), N, jnp.int32)]).reshape(NW, NCHUNK, C)
    edst = jnp.concatenate([e, jnp.full((pad,), H, jnp.int32)]).reshape(NW, NCHUNK, C)
    zeros_f = jnp.zeros((RPT_V, D), jnp.float32)
    zeros_w = jnp.zeros((RPT_V, DEGW), jnp.float32)
    ones_w = jnp.ones((C, DEGW), jnp.float32)

    dege_p = _deg_e(edst, ones_w, zeros_w)
    degv_p = _deg_v(vdst, ones_w, zeros_w)
    bv1 = b_v2e1.reshape(1, D)
    be1 = b_e2v1.reshape(1, D)
    bv2 = b_v2e2.reshape(1, D)
    be2 = b_e2v2.reshape(1, D)

    s1 = _seg_e(x, vsrc, edst, zeros_f)
    t1 = _mm(s1, dege_p, W_v2e1, bv1, W_e2v1)
    s2 = _seg_v(t1, esrc, vdst, zeros_f)
    h = _node_relu(s2, degv_p, be1)
    s3 = _seg_e(h, vsrc, edst, zeros_f)
    t2 = _mm(s3, dege_p, W_v2e2, bv2, W_e2v2)
    s4 = _seg_v(t2, esrc, vdst, zeros_f)
    return _node(s4, degv_p, be2)

# --- scband reference (transcript-rebuilt; emitter-appended) ---
"""Pipeline reference for scband-hnhn-74509092651626 (READ-ONLY COPY).

The authoritative reference and input builder live on the scoring server;
editing this copy changes nothing except your own understanding.
"""

import jax, jax.numpy as jnp
import numpy as np

N_NODES = 10000
N_HEDGES = 5000
E = 320000
D_IN = 128
HID = 128
OUT = 128


def _glorot(k, shape):
    lim = float(np.sqrt(6.0 / (shape[0] + shape[1])))
    return jax.random.uniform(k, shape, jnp.float32, -lim, lim)


def setup_inputs(seed: int = 0) -> dict:
    key = jax.random.key(seed)
    ks = jax.random.split(key, 12)
    x = jax.random.normal(ks[0], (N_NODES, D_IN), jnp.float32)
    edge_index = jax.random.randint(ks[1], (2, E), 0, N_HEDGES).astype(jnp.int64)
    edge_weight = jax.random.uniform(ks[2], (E,), jnp.float32)
    W_v2e1 = _glorot(ks[3], (D_IN, HID))
    b_v2e1 = jnp.zeros((HID,), jnp.float32)
    W_e2v1 = _glorot(ks[4], (HID, HID))
    b_e2v1 = jnp.zeros((HID,), jnp.float32)
    W_v2e2 = _glorot(ks[5], (HID, HID))
    b_v2e2 = jnp.zeros((HID,), jnp.float32)
    W_e2v2 = _glorot(ks[6], (HID, OUT))
    b_e2v2 = jnp.zeros((OUT,), jnp.float32)
    return {"x": x, "edge_index": edge_index, "edge_weight": edge_weight,
            "W_v2e1": W_v2e1, "b_v2e1": b_v2e1, "W_e2v1": W_e2v1, "b_e2v1": b_e2v1,
            "W_v2e2": W_v2e2, "b_v2e2": b_v2e2, "W_e2v2": W_e2v2, "b_e2v2": b_e2v2}


def _hnhn_conv(x, v_idx, e_idx, Wv, bv, We, be):
    # HNHN conv: node -> hyperedge (degree-normalized scatter-add), nonlinearity on
    # hyperedge features, then hyperedge -> node (degree-normalized scatter-add).
    ones = jnp.ones((E,), jnp.float32)
    deg_e = jnp.maximum(jax.ops.segment_sum(ones, e_idx, num_segments=N_HEDGES), 1.0)[:, None]
    deg_v = jnp.maximum(jax.ops.segment_sum(ones, v_idx, num_segments=N_NODES), 1.0)[:, None]
    xv = x @ Wv  # weight_v2e
    xe = jax.ops.segment_sum(xv[v_idx], e_idx, num_segments=N_HEDGES) / deg_e + bv  # bias_v2e
    xe = jax.nn.relu(xe)  # nonlinear_activation_he = relu
    xn = xe @ We  # weight_e2v
    xo = jax.ops.segment_sum(xn[e_idx], v_idx, num_segments=N_NODES) / deg_v + be  # bias_e2v
    return xo, xe


def reference(x, edge_index, edge_weight,
              W_v2e1, b_v2e1, W_e2v1, b_e2v1,
              W_v2e2, b_v2e2, W_e2v2, b_e2v2):
    v_idx = edge_index[0]
    e_idx = edge_index[1]
    # layer 1
    h, xe1 = _hnhn_conv(x, v_idx, e_idx, W_v2e1, b_v2e1, W_e2v1, b_e2v1)
    h = jax.nn.relu(h)
    # dropout is identity in eval mode
    # layer 2 (final)
    out, xe2 = _hnhn_conv(h, v_idx, e_idx, W_v2e2, b_v2e2, W_e2v2, b_e2v2)
    # original returns (x, None); second element is constant None -> return node embeddings
    return out

if __name__ == "__main__":
    import jax
    _d = setup_inputs()
    print(jax.jit(kernel)(*tuple(_d.values())))

</pallas_src>

<mosaic_0001>
#map = affine_map<(d0, d1) -> (0, 0)>
#map1 = affine_map<(d0, d1) -> (0, 0, 0)>
module attributes {stable_mosaic.version = 14 : i64} {
  func.func @body(%arg0: i32, %arg1: i32, %arg2: memref<10000x128xf32, #tpu.memory_space<hbm>>, %arg3: memref<32x79x128xi32, #tpu.memory_space<hbm>>, %arg4: memref<32x79x128xi32, #tpu.memory_space<hbm>>, %arg5: memref<632x128xf32, #tpu.memory_space<hbm>>, %arg6: memref<2x5120x128xf32, #tpu.memory_space<hbm>>, %arg7: memref<79x128xi32, #tpu.memory_space<vmem>>, %arg8: memref<79x128xi32, #tpu.memory_space<vmem>>, %arg9: memref<128x128xf32, #tpu.memory_space<vmem>>, %arg10: memref<5120x128xf32, #tpu.memory_space<vmem_shared>>, %arg11: memref<!tpu.dma_semaphore, #tpu.memory_space<semaphore_mem>>) attributes {dimension_semantics = [#tpu.dimension_semantics<core_parallel>, #tpu.dimension_semantics<subcore_parallel>], iteration_bounds = array<i64: 2, 16>, scalar_prefetch = 0 : i64, scratch_operands = 5 : i64, tpu.core_type = #tpu.core_type<sc_vector_subcore>, window_params = [{transform_indices = #map}, {transform_indices = #map1}, {transform_indices = #map1}, {transform_indices = #map}, {transform_indices = #map1}]} {
    %mul3A = arith.constant 2 : i32
    %mul3A_0 = arith.muli %arg1, %mul3A : i32
    %add3A = arith.addi %mul3A_0, %arg0 : i32
    "tpu.region"() ({
      %run_scoped3A = tpu.sem_alloc : memref<!tpu.dma_semaphore, #tpu.memory_space<semaphore_mem>>
      %dma_start3A = arith.constant 0 : i32
      %dma_start3A_13 = arith.constant 0 : i32
      %dma_start3A_14 = tpu.memref_slice %arg3[%add3A, %dma_start3A, %dma_start3A_13] : memref<32x79x128xi32, #tpu.memory_space<hbm>> -> memref<1x79x128xi32, #tpu.memory_space<hbm>>
      %dma_start3A_15 = tpu.memref_squeeze %dma_start3A_14 : memref<1x79x128xi32, #tpu.memory_space<hbm>> -> memref<79x128xi32, #tpu.memory_space<hbm>>
      %dma_start3A_16 = arith.constant 0 : i32
      %dma_start3A_17 = arith.constant 0 : i32
      %dma_start3A_18 = tpu.memref_slice %arg3[%add3A, %dma_start3A_16, %dma_start3A_17] : memref<32x79x128xi32, #tpu.memory_space<hbm>> -> memref<1x79x128xi32, #tpu.memory_space<hbm>>
      %dma_start3A_19 = tpu.memref_squeeze %dma_start3A_18 : memref<1x79x128xi32, #tpu.memory_space<hbm>> -> memref<79x128xi32, #tpu.memory_space<hbm>>
      tpu.enqueue_dma source(%dma_start3A_19 : memref<79x128xi32, #tpu.memory_space<hbm>>) target(%arg7 : memref<79x128xi32, #tpu.memory_space<vmem>>) target_semaphore(%run_scoped3A : memref<!tpu.dma_semaphore, #tpu.memory_space<semaphore_mem>>)
      %dma_wait3A = arith.constant 0 : i32
      %dma_wait3A_20 = arith.constant 0 : i32
      %dma_wait3A_21 = tpu.memref_slice %arg3[%add3A, %dma_wait3A, %dma_wait3A_20] : memref<32x79x128xi32, #tpu.memory_space<hbm>> -> memref<1x79x128xi32, #tpu.memory_space<hbm>>
      %dma_wait3A_22 = tpu.memref_squeeze %dma_wait3A_21 : memref<1x79x128xi32, #tpu.memory_space<hbm>> -> memref<79x128xi32, #tpu.memory_space<hbm>>
      %dma_wait3A_23 = arith.constant 0 : i32
      %dma_wait3A_24 = arith.constant 0 : i32
      %dma_wait3A_25 = tpu.memref_slice %arg3[%add3A, %dma_wait3A_23, %dma_wait3A_24] : memref<32x79x128xi32, #tpu.memory_space<hbm>> -> memref<1x79x128xi32, #tpu.memory_space<hbm>>
      %dma_wait3A_26 = tpu.memref_squeeze %dma_wait3A_25 : memref<1x79x128xi32, #tpu.memory_space<hbm>> -> memref<79x128xi32, #tpu.memory_space<hbm>>
      tpu.wait_dma2 semaphore(%run_scoped3A : memref<!tpu.dma_semaphore, #tpu.memory_space<semaphore_mem>>) src(%dma_wait3A_26 : memref<79x128xi32, #tpu.memory_space<hbm>>) dst(%arg7 : memref<79x128xi32, #tpu.memory_space<vmem>>)
      tpu.yield
    }) : () -> ()
    "tpu.region"() ({
      %run_scoped3A = tpu.sem_alloc : memref<!tpu.dma_semaphore, #tpu.memory_space<semaphore_mem>>
      %dma_start3A = arith.constant 0 : i32
      %dma_start3A_13 = arith.constant 0 : i32
      %dma_start3A_14 = tpu.memref_slice %arg4[%add3A, %dma_start3A, %dma_start3A_13] : memref<32x79x128xi32, #tpu.memory_space<hbm>> -> memref<1x79x128xi32, #tpu.memory_space<hbm>>
      %dma_start3A_15 = tpu.memref_squeeze %dma_start3A_14 : memref<1x79x128xi32, #tpu.memory_space<hbm>> -> memref<79x128xi32, #tpu.memory_space<hbm>>
      %dma_start3A_16 = arith.constant 0 : i32
      %dma_start3A_17 = arith.constant 0 : i32
      %dma_start3A_18 = tpu.memref_slice %arg4[%add3A, %dma_start3A_16, %dma_start3A_17] : memref<32x79x128xi32, #tpu.memory_space<hbm>> -> memref<1x79x128xi32, #tpu.memory_space<hbm>>
      %dma_start3A_19 = tpu.memref_squeeze %dma_start3A_18 : memref<1x79x128xi32, #tpu.memory_space<hbm>> -> memref<79x128xi32, #tpu.memory_space<hbm>>
      tpu.enqueue_dma source(%dma_start3A_19 : memref<79x128xi32, #tpu.memory_space<hbm>>) target(%arg8 : memref<79x128xi32, #tpu.memory_space<vmem>>) target_semaphore(%run_scoped3A : memref<!tpu.dma_semaphore, #tpu.memory_space<semaphore_mem>>)
      %dma_wait3A = arith.constant 0 : i32
      %dma_wait3A_20 = arith.constant 0 : i32
      %dma_wait3A_21 = tpu.memref_slice %arg4[%add3A, %dma_wait3A, %dma_wait3A_20] : memref<32x79x128xi32, #tpu.memory_space<hbm>> -> memref<1x79x128xi32, #tpu.memory_space<hbm>>
      %dma_wait3A_22 = tpu.memref_squeeze %dma_wait3A_21 : memref<1x79x128xi32, #tpu.memory_space<hbm>> -> memref<79x128xi32, #tpu.memory_space<hbm>>
      %dma_wait3A_23 = arith.constant 0 : i32
      %dma_wait3A_24 = arith.constant 0 : i32
      %dma_wait3A_25 = tpu.memref_slice %arg4[%add3A, %dma_wait3A_23, %dma_wait3A_24] : memref<32x79x128xi32, #tpu.memory_space<hbm>> -> memref<1x79x128xi32, #tpu.memory_space<hbm>>
      %dma_wait3A_26 = tpu.memref_squeeze %dma_wait3A_25 : memref<1x79x128xi32, #tpu.memory_space<hbm>> -> memref<79x128xi32, #tpu.memory_space<hbm>>
      tpu.wait_dma2 semaphore(%run_scoped3A : memref<!tpu.dma_semaphore, #tpu.memory_space<semaphore_mem>>) src(%dma_wait3A_26 : memref<79x128xi32, #tpu.memory_space<hbm>>) dst(%arg8 : memref<79x128xi32, #tpu.memory_space<vmem>>)
      tpu.yield
    }) : () -> ()
    %mul3A_1 = arith.constant 320 : i32
    %mul3A_2 = arith.muli %arg1, %mul3A_1 : i32
    "tpu.region"() ({
      %run_scoped3A = tpu.sem_alloc : memref<!tpu.dma_semaphore, #tpu.memory_space<semaphore_mem>>
      %dma_start3A = arith.constant 0 : i32
      %dma_start3A_13 = tpu.memref_slice %arg10[%mul3A_2, %dma_start3A] : memref<5120x128xf32, #tpu.memory_space<vmem_shared>> -> memref<320x128xf32, #tpu.memory_space<vmem_shared>>
      %dma_start3A_14 = arith.constant 0 : i32
      %dma_start3A_15 = arith.constant 0 : i32
      %dma_start3A_16 = tpu.memref_slice %arg5[%dma_start3A_14, %dma_start3A_15] : memref<632x128xf32, #tpu.memory_space<hbm>> -> memref<320x128xf32, #tpu.memory_space<hbm>>
      tpu.enqueue_dma source(%dma_start3A_16 : memref<320x128xf32, #tpu.memory_space<hbm>>) target(%dma_start3A_13 : memref<320x128xf32, #tpu.memory_space<vmem_shared>>) target_semaphore(%run_scoped3A : memref<!tpu.dma_semaphore, #tpu.memory_space<semaphore_mem>>)
      %dma_wait3A = arith.constant 0 : i32
      %dma_wait3A_17 = tpu.memref_slice %arg10[%mul3A_2, %dma_wait3A] : memref<5120x128xf32, #tpu.memory_space<vmem_shared>> -> memref<320x128xf32, #tpu.memory_space<vmem_shared>>
      %dma_wait3A_18 = arith.constant 0 : i32
      %dma_wait3A_19 = arith.constant 0 : i32
      %dma_wait3A_20 = tpu.memref_slice %arg5[%dma_wait3A_18, %dma_wait3A_19] : memref<632x128xf32, #tpu.memory_space<hbm>> -> memref<320x128xf32, #tpu.memory_space<hbm>>
      tpu.wait_dma2 semaphore(%run_scoped3A : memref<!tpu.dma_semaphore, #tpu.memory_space<semaphore_mem>>) src(%dma_wait3A_20 : memref<320x128xf32, #tpu.memory_space<hbm>>) dst(%dma_wait3A_17 : memref<320x128xf32, #tpu.memory_space<vmem_shared>>)
      tpu.yield
    }) : () -> ()
    %barrier3A = arith.constant 0 : index
    tpu.barrier barrier_id(%barrier3A)
    %scan3A = arith.constant 0 : i32
    %scan3A_3 = arith.constant 0 : i32
    %scan3A_4 = arith.constant 79 : i32
    %scan3A_5 = arith.addi %scan3A_3, %scan3A_4 : i32
    %scan3A_6 = arith.constant 1 : i32
    scf.for %scan3A_13 = %scan3A_3 to %scan3A_5 step %scan3A_6  : i32 {
      %dma_start3A = arith.constant 0 : i32
      %dma_start3A_14 = tpu.memref_slice %arg7[%scan3A_13, %dma_start3A] : memref<79x128xi32, #tpu.memory_space<vmem>> -> memref<1x128xi32, #tpu.memory_space<vmem>>
      %dma_start3A_15 = tpu.memref_squeeze %dma_start3A_14 : memref<1x128xi32, #tpu.memory_space<vmem>> -> memref<128xi32, #tpu.memory_space<vmem>>
      %dma_start3A_16 = arith.constant 0 : i32
      %dma_start3A_17 = arith.constant 0 : i32
      %dma_start3A_18 = tpu.memref_slice %arg2[%dma_start3A_16, %dma_start3A_17] : memref<10000x128xf32, #tpu.memory_space<hbm>> -> memref<10000x128xf32, #tpu.memory_space<hbm>>
      tpu.enqueue_indirect_dma source(%dma_start3A_18 : memref<10000x128xf32, #tpu.memory_space<hbm>>) target(%arg9 : memref<128x128xf32, #tpu.memory_space<vmem>>) offsets(%dma_start3A_15 : memref<128xi32, #tpu.memory_space<vmem>>) semaphore(%arg11 : memref<!tpu.dma_semaphore, #tpu.memory_space<semaphore_mem>>)
      %dma_wait3A = arith.constant 0 : i32
      %dma_wait3A_19 = tpu.memref_slice %arg7[%scan3A_13, %dma_wait3A] : memref<79x128xi32, #tpu.memory_space<vmem>> -> memref<1x128xi32, #tpu.memory_space<vmem>>
      %dma_wait3A_20 = tpu.memref_squeeze %dma_wait3A_19 : memref<1x128xi32, #tpu.memory_space<vmem>> -> memref<128xi32, #tpu.memory_space<vmem>>
      %dma_wait3A_21 = arith.constant 0 : i32
      %dma_wait3A_22 = arith.constant 0 : i32
      %dma_wait3A_23 = tpu.memref_slice %arg2[%dma_wait3A_21, %dma_wait3A_22] : memref<10000x128xf32, #tpu.memory_space<hbm>> -> memref<10000x128xf32, #tpu.memory_space<hbm>>
      tpu.wait_indirect_dma semaphore(%arg11 : memref<!tpu.dma_semaphore, #tpu.memory_space<semaphore_mem>>) src(%dma_wait3A_23 : memref<10000x128xf32, #tpu.memory_space<hbm>>) dst(%arg9 : memref<128x128xf32, #tpu.memory_space<vmem>>)
      "tpu.region"() ({
        %run_scoped3A = tpu.sem_alloc : memref<!tpu.dma_semaphore, #tpu.memory_space<semaphore_mem>>
        %dma_start3A_24 = arith.constant 0 : i32
        %dma_start3A_25 = tpu.memref_slice %arg8[%scan3A_13, %dma_start3A_24] : memref<79x128xi32, #tpu.memory_space<vmem>> -> memref<1x128xi32, #tpu.memory_space<vmem>>
        %dma_start3A_26 = tpu.memref_squeeze %dma_start3A_25 : memref<1x128xi32, #tpu.memory_space<vmem>> -> memref<128xi32, #tpu.memory_space<vmem>>
        %dma_start3A_27 = arith.constant 0 : i32
        %dma_start3A_28 = arith.constant 0 : i32
        %dma_start3A_29 = tpu.memref_slice %arg10[%dma_start3A_27, %dma_start3A_28] : memref<5120x128xf32, #tpu.memory_space<vmem_shared>> -> memref<5120x128xf32, #tpu.memory_space<vmem_shared>>
        tpu.enqueue_indirect_dma source(%arg9 : memref<128x128xf32, #tpu.memory_space<vmem>>) target(%dma_start3A_29 : memref<5120x128xf32, #tpu.memory_space<vmem_shared>>) offsets(%dma_start3A_26 : memref<128xi32, #tpu.memory_space<vmem>>) semaphore(%run_scoped3A : memref<!tpu.dma_semaphore, #tpu.memory_space<semaphore_mem>>) {add = true}
        %dma_wait3A_30 = arith.constant 0 : i32
        %dma_wait3A_31 = tpu.memref_slice %arg8[%scan3A_13, %dma_wait3A_30] : memref<79x128xi32, #tpu.memory_space<vmem>> -> memref<1x128xi32, #tpu.memory_space<vmem>>
        %dma_wait3A_32 = tpu.memref_squeeze %dma_wait3A_31 : memref<1x128xi32, #tpu.memory_space<vmem>> -> memref<128xi32, #tpu.memory_space<vmem>>
        %dma_wait3A_33 = arith.constant 0 : i32
        %dma_wait3A_34 = arith.constant 0 : i32
        %dma_wait3A_35 = tpu.memref_slice %arg10[%dma_wait3A_33, %dma_wait3A_34] : memref<5120x128xf32, #tpu.memory_space<vmem_shared>> -> memref<5120x128xf32, #tpu.memory_space<vmem_shared>>
        tpu.wait_indirect_dma semaphore(%run_scoped3A : memref<!tpu.dma_semaphore, #tpu.memory_space<semaphore_mem>>) src(%arg9 : memref<128x128xf32, #tpu.memory_space<vmem>>) dst(%dma_wait3A_35 : memref<5120x128xf32, #tpu.memory_space<vmem_shared>>)
        tpu.yield
      }) : () -> ()
    }
    %scan3A_7 = arith.constant 79 : i32
    %barrier3A_8 = arith.constant 0 : index
    tpu.barrier barrier_id(%barrier3A_8)
    %mul3A_9 = arith.constant 320 : i32
    %mul3A_10 = arith.muli %arg1, %mul3A_9 : i32
    %mul3A_11 = arith.constant 320 : i32
    %mul3A_12 = arith.muli %arg1, %mul3A_11 : i32
    "tpu.region"() ({
      %run_scoped3A = tpu.sem_alloc : memref<!tpu.dma_semaphore, #tpu.memory_space<semaphore_mem>>
      %dma_start3A = arith.constant 0 : i32
      %dma_start3A_13 = tpu.memref_slice %arg6[%arg0, %mul3A_12, %dma_start3A] : memref<2x5120x128xf32, #tpu.memory_space<hbm>> -> memref<1x320x128xf32, #tpu.memory_space<hbm>>
      %dma_start3A_14 = tpu.memref_squeeze %dma_start3A_13 : memref<1x320x128xf32, #tpu.memory_space<hbm>> -> memref<320x128xf32, #tpu.memory_space<hbm>>
      %dma_start3A_15 = arith.constant 0 : i32
      %dma_start3A_16 = tpu.memref_slice %arg10[%mul3A_10, %dma_start3A_15] : memref<5120x128xf32, #tpu.memory_space<vmem_shared>> -> memref<320x128xf32, #tpu.memory_space<vmem_shared>>
      tpu.enqueue_dma source(%dma_start3A_16 : memref<320x128xf32, #tpu.memory_space<vmem_shared>>) target(%dma_start3A_14 : memref<320x128xf32, #tpu.memory_space<hbm>>) target_semaphore(%run_scoped3A : memref<!tpu.dma_semaphore, #tpu.memory_space<semaphore_mem>>)
      %dma_wait3A = arith.constant 0 : i32
      %dma_wait3A_17 = tpu.memref_slice %arg6[%arg0, %mul3A_12, %dma_wait3A] : memref<2x5120x128xf32, #tpu.memory_space<hbm>> -> memref<1x320x128xf32, #tpu.memory_space<hbm>>
      %dma_wait3A_18 = tpu.memref_squeeze %dma_wait3A_17 : memref<1x320x128xf32, #tpu.memory_space<hbm>> -> memref<320x128xf32, #tpu.memory_space<hbm>>
      %dma_wait3A_19 = arith.constant 0 : i32
      %dma_wait3A_20 = tpu.memref_slice %arg10[%mul3A_10, %dma_wait3A_19] : memref<5120x128xf32, #tpu.memory_space<vmem_shared>> -> memref<320x128xf32, #tpu.memory_space<vmem_shared>>
      tpu.wait_dma2 semaphore(%run_scoped3A : memref<!tpu.dma_semaphore, #tpu.memory_space<semaphore_mem>>) src(%dma_wait3A_20 : memref<320x128xf32, #tpu.memory_space<vmem_shared>>) dst(%dma_wait3A_18 : memref<320x128xf32, #tpu.memory_space<hbm>>)
      tpu.yield
    }) : () -> ()
    return
  }
}

#map = affine_map<(d0, d1) -> (0, 0, 0)>
#map1 = affine_map<(d0, d1) -> (0, 0)>
module attributes {stable_mosaic.version = 14 : i64} {
  func.func @body(%arg0: i32, %arg1: i32, %arg2: memref<32x79x128xi32, #tpu.memory_space<hbm>>, %arg3: memref<128x128xf32, #tpu.memory_space<hbm>>, %arg4: memref<632x128xf32, #tpu.memory_space<hbm>>, %arg5: memref<2x5120x128xf32, #tpu.memory_space<hbm>>, %arg6: memref<79x128xi32, #tpu.memory_space<vmem>>, %arg7: memref<128x128xf32, #tpu.memory_space<vmem>>, %arg8: memref<5120x128xf32, #tpu.memory_space<vmem_shared>>) attributes {dimension_semantics = [#tpu.dimension_semantics<core_parallel>, #tpu.dimension_semantics<subcore_parallel>], iteration_bounds = array<i64: 2, 16>, scalar_prefetch = 0 : i64, scratch_operands = 3 : i64, tpu.core_type = #tpu.core_type<sc_vector_subcore>, window_params = [{transform_indices = #map}, {transform_indices = #map1}, {transform_indices = #map1}, {transform_indices = #map}]} {
    %mul3A = arith.constant 2 : i32
    %mul3A_0 = arith.muli %arg1, %mul3A : i32
    %add3A = arith.addi %mul3A_0, %arg0 : i32
    "tpu.region"() ({
      %run_scoped3A = tpu.sem_alloc : memref<!tpu.dma_semaphore, #tpu.memory_space<semaphore_mem>>
      %dma_start3A = arith.constant 0 : i32
      %dma_start3A_13 = arith.constant 0 : i32
      %dma_start3A_14 = tpu.memref_slice %arg2[%add3A, %dma_start3A, %dma_start3A_13] : memref<32x79x128xi32, #tpu.memory_space<hbm>> -> memref<1x79x128xi32, #tpu.memory_space<hbm>>
      %dma_start3A_15 = tpu.memref_squeeze %dma_start3A_14 : memref<1x79x128xi32, #tpu.memory_space<hbm>> -> memref<79x128xi32, #tpu.memory_space<hbm>>
      %dma_start3A_16 = arith.constant 0 : i32
      %dma_start3A_17 = arith.constant 0 : i32
      %dma_start3A_18 = tpu.memref_slice %arg2[%add3A, %dma_start3A_16, %dma_start3A_17] : memref<32x79x128xi32, #tpu.memory_space<hbm>> -> memref<1x79x128xi32, #tpu.memory_space<hbm>>
      %dma_start3A_19 = tpu.memref_squeeze %dma_start3A_18 : memref<1x79x128xi32, #tpu.memory_space<hbm>> -> memref<79x128xi32, #tpu.memory_space<hbm>>
      tpu.enqueue_dma source(%dma_start3A_19 : memref<79x128xi32, #tpu.memory_space<hbm>>) target(%arg6 : memref<79x128xi32, #tpu.memory_space<vmem>>) target_semaphore(%run_scoped3A : memref<!tpu.dma_semaphore, #tpu.memory_space<semaphore_mem>>)
      %dma_wait3A = arith.constant 0 : i32
      %dma_wait3A_20 = arith.constant 0 : i32
      %dma_wait3A_21 = tpu.memref_slice %arg2[%add3A, %dma_wait3A, %dma_wait3A_20] : memref<32x79x128xi32, #tpu.memory_space<hbm>> -> memref<1x79x128xi32, #tpu.memory_space<hbm>>
      %dma_wait3A_22 = tpu.memref_squeeze %dma_wait3A_21 : memref<1x79x128xi32, #tpu.memory_space<hbm>> -> memref<79x128xi32, #tpu.memory_space<hbm>>
      %dma_wait3A_23 = arith.constant 0 : i32
      %dma_wait3A_24 = arith.constant 0 : i32
      %dma_wait3A_25 = tpu.memref_slice %arg2[%add3A, %dma_wait3A_23, %dma_wait3A_24] : memref<32x79x128xi32, #tpu.memory_space<hbm>> -> memref<1x79x128xi32, #tpu.memory_space<hbm>>
      %dma_wait3A_26 = tpu.memref_squeeze %dma_wait3A_25 : memref<1x79x128xi32, #tpu.memory_space<hbm>> -> memref<79x128xi32, #tpu.memory_space<hbm>>
      tpu.wait_dma2 semaphore(%run_scoped3A : memref<!tpu.dma_semaphore, #tpu.memory_space<semaphore_mem>>) src(%dma_wait3A_26 : memref<79x128xi32, #tpu.memory_space<hbm>>) dst(%arg6 : memref<79x128xi32, #tpu.memory_space<vmem>>)
      tpu.yield
    }) : () -> ()
    "tpu.region"() ({
      %run_scoped3A = tpu.sem_alloc : memref<!tpu.dma_semaphore, #tpu.memory_space<semaphore_mem>>
      tpu.enqueue_dma source(%arg3 : memref<128x128xf32, #tpu.memory_space<hbm>>) target(%arg7 : memref<128x128xf32, #tpu.memory_space<vmem>>) target_semaphore(%run_scoped3A : memref<!tpu.dma_semaphore, #tpu.memory_space<semaphore_mem>>)
      tpu.wait_dma2 semaphore(%run_scoped3A : memref<!tpu.dma_semaphore, #tpu.memory_space<semaphore_mem>>) src(%arg3 : memref<128x128xf32, #tpu.memory_space<hbm>>) dst(%arg7 : memref<128x128xf32, #tpu.memory_space<vmem>>)
      tpu.yield
    }) : () -> ()
    %mul3A_1 = arith.constant 320 : i32
    %mul3A_2 = arith.muli %arg1, %mul3A_1 : i32
    "tpu.region"() ({
      %run_scoped3A = tpu.sem_alloc : memref<!tpu.dma_semaphore, #tpu.memory_space<semaphore_mem>>
      %dma_start3A = arith.constant 0 : i32
      %dma_start3A_13 = tpu.memref_slice %arg8[%mul3A_2, %dma_start3A] : memref<5120x128xf32, #tpu.memory_space<vmem_shared>> -> memref<320x128xf32, #tpu.memory_space<vmem_shared>>
      %dma_start3A_14 = arith.constant 0 : i32
      %dma_start3A_15 = arith.constant 0 : i32
      %dma_start3A_16 = tpu.memref_slice %arg4[%dma_start3A_14, %dma_start3A_15] : memref<632x128xf32, #tpu.memory_space<hbm>> -> memref<320x128xf32, #tpu.memory_space<hbm>>
      tpu.enqueue_dma source(%dma_start3A_16 : memref<320x128xf32, #tpu.memory_space<hbm>>) target(%dma_start3A_13 : memref<320x128xf32, #tpu.memory_space<vmem_shared>>) target_semaphore(%run_scoped3A : memref<!tpu.dma_semaphore, #tpu.memory_space<semaphore_mem>>)
      %dma_wait3A = arith.constant 0 : i32
      %dma_wait3A_17 = tpu.memref_slice %arg8[%mul3A_2, %dma_wait3A] : memref<5120x128xf32, #tpu.memory_space<vmem_shared>> -> memref<320x128xf32, #tpu.memory_space<vmem_shared>>
      %dma_wait3A_18 = arith.constant 0 : i32
      %dma_wait3A_19 = arith.constant 0 : i32
      %dma_wait3A_20 = tpu.memref_slice %arg4[%dma_wait3A_18, %dma_wait3A_19] : memref<632x128xf32, #tpu.memory_space<hbm>> -> memref<320x128xf32, #tpu.memory_space<hbm>>
      tpu.wait_dma2 semaphore(%run_scoped3A : memref<!tpu.dma_semaphore, #tpu.memory_space<semaphore_mem>>) src(%dma_wait3A_20 : memref<320x128xf32, #tpu.memory_space<hbm>>) dst(%dma_wait3A_17 : memref<320x128xf32, #tpu.memory_space<vmem_shared>>)
      tpu.yield
    }) : () -> ()
    %barrier3A = arith.constant 0 : index
    tpu.barrier barrier_id(%barrier3A)
    %scan3A = arith.constant 0 : i32
    %scan3A_3 = arith.constant 0 : i32
    %scan3A_4 = arith.constant 79 : i32
    %scan3A_5 = arith.addi %scan3A_3, %scan3A_4 : i32
    %scan3A_6 = arith.constant 1 : i32
    scf.for %scan3A_13 = %scan3A_3 to %scan3A_5 step %scan3A_6  : i32 {
      "tpu.region"() ({
        %run_scoped3A = tpu.sem_alloc : memref<!tpu.dma_semaphore, #tpu.memory_space<semaphore_mem>>
        %dma_start3A = arith.constant 0 : i32
        %dma_start3A_14 = tpu.memref_slice %arg6[%scan3A_13, %dma_start3A] : memref<79x128xi32, #tpu.memory_space<vmem>> -> memref<1x128xi32, #tpu.memory_space<vmem>>
        %dma_start3A_15 = tpu.memref_squeeze %dma_start3A_14 : memref<1x128xi32, #tpu.memory_space<vmem>> -> memref<128xi32, #tpu.memory_space<vmem>>
        %dma_start3A_16 = arith.constant 0 : i32
        %dma_start3A_17 = arith.constant 0 : i32
        %dma_start3A_18 = tpu.memref_slice %arg8[%dma_start3A_16, %dma_start3A_17] : memref<5120x128xf32, #tpu.memory_space<vmem_shared>> -> memref<5120x128xf32, #tpu.memory_space<vmem_shared>>
        tpu.enqueue_indirect_dma source(%arg7 : memref<128x128xf32, #tpu.memory_space<vmem>>) target(%dma_start3A_18 : memref<5120x128xf32, #tpu.memory_space<vmem_shared>>) offsets(%dma_start3A_15 : memref<128xi32, #tpu.memory_space<vmem>>) semaphore(%run_scoped3A : memref<!tpu.dma_semaphore, #tpu.memory_space<semaphore_mem>>) {add = true}
        %dma_wait3A = arith.constant 0 : i32
        %dma_wait3A_19 = tpu.memref_slice %arg6[%scan3A_13, %dma_wait3A] : memref<79x128xi32, #tpu.memory_space<vmem>> -> memref<1x128xi32, #tpu.memory_space<vmem>>
        %dma_wait3A_20 = tpu.memref_squeeze %dma_wait3A_19 : memref<1x128xi32, #tpu.memory_space<vmem>> -> memref<128xi32, #tpu.memory_space<vmem>>
        %dma_wait3A_21 = arith.constant 0 : i32
        %dma_wait3A_22 = arith.constant 0 : i32
        %dma_wait3A_23 = tpu.memref_slice %arg8[%dma_wait3A_21, %dma_wait3A_22] : memref<5120x128xf32, #tpu.memory_space<vmem_shared>> -> memref<5120x128xf32, #tpu.memory_space<vmem_shared>>
        tpu.wait_indirect_dma semaphore(%run_scoped3A : memref<!tpu.dma_semaphore, #tpu.memory_space<semaphore_mem>>) src(%arg7 : memref<128x128xf32, #tpu.memory_space<vmem>>) dst(%dma_wait3A_23 : memref<5120x128xf32, #tpu.memory_space<vmem_shared>>)
        tpu.yield
      }) : () -> ()
    }
    %scan3A_7 = arith.constant 79 : i32
    %barrier3A_8 = arith.constant 0 : index
    tpu.barrier barrier_id(%barrier3A_8)
    %mul3A_9 = arith.constant 320 : i32
    %mul3A_10 = arith.muli %arg1, %mul3A_9 : i32
    %mul3A_11 = arith.constant 320 : i32
    %mul3A_12 = arith.muli %arg1, %mul3A_11 : i32
    "tpu.region"() ({
      %run_scoped3A = tpu.sem_alloc : memref<!tpu.dma_semaphore, #tpu.memory_space<semaphore_mem>>
      %dma_start3A = arith.constant 0 : i32
      %dma_start3A_13 = tpu.memref_slice %arg5[%arg0, %mul3A_12, %dma_start3A] : memref<2x5120x128xf32, #tpu.memory_space<hbm>> -> memref<1x320x128xf32, #tpu.memory_space<hbm>>
      %dma_start3A_14 = tpu.memref_squeeze %dma_start3A_13 : memref<1x320x128xf32, #tpu.memory_space<hbm>> -> memref<320x128xf32, #tpu.memory_space<hbm>>
      %dma_start3A_15 = arith.constant 0 : i32
      %dma_start3A_16 = tpu.memref_slice %arg8[%mul3A_10, %dma_start3A_15] : memref<5120x128xf32, #tpu.memory_space<vmem_shared>> -> memref<320x128xf32, #tpu.memory_space<vmem_shared>>
      tpu.enqueue_dma source(%dma_start3A_16 : memref<320x128xf32, #tpu.memory_space<vmem_shared>>) target(%dma_start3A_14 : memref<320x128xf32, #tpu.memory_space<hbm>>) target_semaphore(%run_scoped3A : memref<!tpu.dma_semaphore, #tpu.memory_space<semaphore_mem>>)
      %dma_wait3A = arith.constant 0 : i32
      %dma_wait3A_17 = tpu.memref_slice %arg5[%arg0, %mul3A_12, %dma_wait3A] : memref<2x5120x128xf32, #tpu.memory_space<hbm>> -> memref<1x320x128xf32, #tpu.memory_space<hbm>>
      %dma_wait3A_18 = tpu.memref_squeeze %dma_wait3A_17 : memref<1x320x128xf32, #tpu.memory_space<hbm>> -> memref<320x128xf32, #tpu.memory_space<hbm>>
      %dma_wait3A_19 = arith.constant 0 : i32
      %dma_wait3A_20 = tpu.memref_slice %arg8[%mul3A_10, %dma_wait3A_19] : memref<5120x128xf32, #tpu.memory_space<vmem_shared>> -> memref<320x128xf32, #tpu.memory_space<vmem_shared>>
      tpu.wait_dma2 semaphore(%run_scoped3A : memref<!tpu.dma_semaphore, #tpu.memory_space<semaphore_mem>>) src(%dma_wait3A_20 : memref<320x128xf32, #tpu.memory_space<vmem_shared>>) dst(%dma_wait3A_18 : memref<320x128xf32, #tpu.memory_space<hbm>>)
      tpu.yield
    }) : () -> ()
    return
  }
}

#map = affine_map<(d0, d1) -> (0, 0, 0)>
#map1 = affine_map<(d0, d1) -> (0, 0)>
module attributes {stable_mosaic.version = 14 : i64} {
  func.func @body(%arg0: i32, %arg1: i32, %arg2: memref<32x79x128xi32, #tpu.memory_space<hbm>>, %arg3: memref<128x128xf32, #tpu.memory_space<hbm>>, %arg4: memref<632x128xf32, #tpu.memory_space<hbm>>, %arg5: memref<2x10112x128xf32, #tpu.memory_space<hbm>>, %arg6: memref<79x128xi32, #tpu.memory_space<vmem>>, %arg7: memref<128x128xf32, #tpu.memory_space<vmem>>, %arg8: memref<10112x128xf32, #tpu.memory_space<vmem_shared>>) attributes {dimension_semantics = [#tpu.dimension_semantics<core_parallel>, #tpu.dimension_semantics<subcore_parallel>], iteration_bounds = array<i64: 2, 16>, scalar_prefetch = 0 : i64, scratch_operands = 3 : i64, tpu.core_type = #tpu.core_type<sc_vector_subcore>, window_params = [{transform_indices = #map}, {transform_indices = #map1}, {transform_indices = #map1}, {transform_indices = #map}]} {
    %mul3A = arith.constant 2 : i32
    %mul3A_0 = arith.muli %arg1, %mul3A : i32
    %add3A = arith.addi %mul3A_0, %arg0 : i32
    "tpu.region"() ({
      %run_scoped3A = tpu.sem_alloc : memref<!tpu.dma_semaphore, #tpu.memory_space<semaphore_mem>>
      %dma_start3A = arith.constant 0 : i32
      %dma_start3A_13 = arith.constant 0 : i32
      %dma_start3A_14 = tpu.memref_slice %arg2[%add3A, %dma_start3A, %dma_start3A_13] : memref<32x79x128xi32, #tpu.memory_space<hbm>> -> memref<1x79x128xi32, #tpu.memory_space<hbm>>
      %dma_start3A_15 = tpu.memref_squeeze %dma_start3A_14 : memref<1x79x128xi32, #tpu.memory_space<hbm>> -> memref<79x128xi32, #tpu.memory_space<hbm>>
      %dma_start3A_16 = arith.constant 0 : i32
      %dma_start3A_17 = arith.constant 0 : i32
      %dma_start3A_18 = tpu.memref_slice %arg2[%add3A, %dma_start3A_16, %dma_start3A_17] : memref<32x79x128xi32, #tpu.memory_space<hbm>> -> memref<1x79x128xi32, #tpu.memory_space<hbm>>
      %dma_start3A_19 = tpu.memref_squeeze %dma_start3A_18 : memref<1x79x128xi32, #tpu.memory_space<hbm>> -> memref<79x128xi32, #tpu.memory_space<hbm>>
      tpu.enqueue_dma source(%dma_start3A_19 : memref<79x128xi32, #tpu.memory_space<hbm>>) target(%arg6 : memref<79x128xi32, #tpu.memory_space<vmem>>) target_semaphore(%run_scoped3A : memref<!tpu.dma_semaphore, #tpu.memory_space<semaphore_mem>>)
      %dma_wait3A = arith.constant 0 : i32
      %dma_wait3A_20 = arith.constant 0 : i32
      %dma_wait3A_21 = tpu.memref_slice %arg2[%add3A, %dma_wait3A, %dma_wait3A_20] : memref<32x79x128xi32, #tpu.memory_space<hbm>> -> memref<1x79x128xi32, #tpu.memory_space<hbm>>
      %dma_wait3A_22 = tpu.memref_squeeze %dma_wait3A_21 : memref<1x79x128xi32, #tpu.memory_space<hbm>> -> memref<79x128xi32, #tpu.memory_space<hbm>>
      %dma_wait3A_23 = arith.constant 0 : i32
      %dma_wait3A_24 = arith.constant 0 : i32
      %dma_wait3A_25 = tpu.memref_slice %arg2[%add3A, %dma_wait3A_23, %dma_wait3A_24] : memref<32x79x128xi32, #tpu.memory_space<hbm>> -> memref<1x79x128xi32, #tpu.memory_space<hbm>>
      %dma_wait3A_26 = tpu.memref_squeeze %dma_wait3A_25 : memref<1x79x128xi32, #tpu.memory_space<hbm>> -> memref<79x128xi32, #tpu.memory_space<hbm>>
      tpu.wait_dma2 semaphore(%run_scoped3A : memref<!tpu.dma_semaphore, #tpu.memory_space<semaphore_mem>>) src(%dma_wait3A_26 : memref<79x128xi32, #tpu.memory_space<hbm>>) dst(%arg6 : memref<79x128xi32, #tpu.memory_space<vmem>>)
      tpu.yield
    }) : () -> ()
    "tpu.region"() ({
      %run_scoped3A = tpu.sem_alloc : memref<!tpu.dma_semaphore, #tpu.memory_space<semaphore_mem>>
      tpu.enqueue_dma source(%arg3 : memref<128x128xf32, #tpu.memory_space<hbm>>) target(%arg7 : memref<128x128xf32, #tpu.memory_space<vmem>>) target_semaphore(%run_scoped3A : memref<!tpu.dma_semaphore, #tpu.memory_space<semaphore_mem>>)
      tpu.wait_dma2 semaphore(%run_scoped3A : memref<!tpu.dma_semaphore, #tpu.memory_space<semaphore_mem>>) src(%arg3 : memref<128x128xf32, #tpu.memory_space<hbm>>) dst(%arg7 : memref<128x128xf32, #tpu.memory_space<vmem>>)
      tpu.yield
    }) : () -> ()
    %mul3A_1 = arith.constant 632 : i32
    %mul3A_2 = arith.muli %arg1, %mul3A_1 : i32
    "tpu.region"() ({
      %run_scoped3A = tpu.sem_alloc : memref<!tpu.dma_semaphore, #tpu.memory_space<semaphore_mem>>
      %dma_start3A = arith.constant 0 : i32
      %dma_start3A_13 = tpu.memref_slice %arg8[%mul3A_2, %dma_start3A] : memref<10112x128xf32, #tpu.memory_space<vmem_shared>> -> memref<632x128xf32, #tpu.memory_space<vmem_shared>>
      %dma_start3A_14 = arith.constant 0 : i32
      %dma_start3A_15 = arith.constant 0 : i32
      %dma_start3A_16 = tpu.memref_slice %arg4[%dma_start3A_14, %dma_start3A_15] : memref<632x128xf32, #tpu.memory_space<hbm>> -> memref<632x128xf32, #tpu.memory_space<hbm>>
      tpu.enqueue_dma source(%dma_start3A_16 : memref<632x128xf32, #tpu.memory_space<hbm>>) target(%dma_start3A_13 : memref<632x128xf32, #tpu.memory_space<vmem_shared>>) target_semaphore(%run_scoped3A : memref<!tpu.dma_semaphore, #tpu.memory_space<semaphore_mem>>)
      %dma_wait3A = arith.constant 0 : i32
      %dma_wait3A_17 = tpu.memref_slice %arg8[%mul3A_2, %dma_wait3A] : memref<10112x128xf32, #tpu.memory_space<vmem_shared>> -> memref<632x128xf32, #tpu.memory_space<vmem_shared>>
      %dma_wait3A_18 = arith.constant 0 : i32
      %dma_wait3A_19 = arith.constant 0 : i32
      %dma_wait3A_20 = tpu.memref_slice %arg4[%dma_wait3A_18, %dma_wait3A_19] : memref<632x128xf32, #tpu.memory_space<hbm>> -> memref<632x128xf32, #tpu.memory_space<hbm>>
      tpu.wait_dma2 semaphore(%run_scoped3A : memref<!tpu.dma_semaphore, #tpu.memory_space<semaphore_mem>>) src(%dma_wait3A_20 : memref<632x128xf32, #tpu.memory_space<hbm>>) dst(%dma_wait3A_17 : memref<632x128xf32, #tpu.memory_space<vmem_shared>>)
      tpu.yield
    }) : () -> ()
    %barrier3A = arith.constant 0 : index
    tpu.barrier barrier_id(%barrier3A)
    %scan3A = arith.constant 0 : i32
    %scan3A_3 = arith.constant 0 : i32
    %scan3A_4 = arith.constant 79 : i32
    %scan3A_5 = arith.addi %scan3A_3, %scan3A_4 : i32
    %scan3A_6 = arith.constant 1 : i32
    scf.for %scan3A_13 = %scan3A_3 to %scan3A_5 step %scan3A_6  : i32 {
      "tpu.region"() ({
        %run_scoped3A = tpu.sem_alloc : memref<!tpu.dma_semaphore, #tpu.memory_space<semaphore_mem>>
        %dma_start3A = arith.constant 0 : i32
        %dma_start3A_14 = tpu.memref_slice %arg6[%scan3A_13, %dma_start3A] : memref<79x128xi32, #tpu.memory_space<vmem>> -> memref<1x128xi32, #tpu.memory_space<vmem>>
        %dma_start3A_15 = tpu.memref_squeeze %dma_start3A_14 : memref<1x128xi32, #tpu.memory_space<vmem>> -> memref<128xi32, #tpu.memory_space<vmem>>
        %dma_start3A_16 = arith.constant 0 : i32
        %dma_start3A_17 = arith.constant 0 : i32
        %dma_start3A_18 = tpu.memref_slice %arg8[%dma_start3A_16, %dma_start3A_17] : memref<10112x128xf32, #tpu.memory_space<vmem_shared>> -> memref<10112x128xf32, #tpu.memory_space<vmem_shared>>
        tpu.enqueue_indirect_dma source(%arg7 : memref<128x128xf32, #tpu.memory_space<vmem>>) target(%dma_start3A_18 : memref<10112x128xf32, #tpu.memory_space<vmem_shared>>) offsets(%dma_start3A_15 : memref<128xi32, #tpu.memory_space<vmem>>) semaphore(%run_scoped3A : memref<!tpu.dma_semaphore, #tpu.memory_space<semaphore_mem>>) {add = true}
        %dma_wait3A = arith.constant 0 : i32
        %dma_wait3A_19 = tpu.memref_slice %arg6[%scan3A_13, %dma_wait3A] : memref<79x128xi32, #tpu.memory_space<vmem>> -> memref<1x128xi32, #tpu.memory_space<vmem>>
        %dma_wait3A_20 = tpu.memref_squeeze %dma_wait3A_19 : memref<1x128xi32, #tpu.memory_space<vmem>> -> memref<128xi32, #tpu.memory_space<vmem>>
        %dma_wait3A_21 = arith.constant 0 : i32
        %dma_wait3A_22 = arith.constant 0 : i32
        %dma_wait3A_23 = tpu.memref_slice %arg8[%dma_wait3A_21, %dma_wait3A_22] : memref<10112x128xf32, #tpu.memory_space<vmem_shared>> -> memref<10112x128xf32, #tpu.memory_space<vmem_shared>>
        tpu.wait_indirect_dma semaphore(%run_scoped3A : memref<!tpu.dma_semaphore, #tpu.memory_space<semaphore_mem>>) src(%arg7 : memref<128x128xf32, #tpu.memory_space<vmem>>) dst(%dma_wait3A_23 : memref<10112x128xf32, #tpu.memory_space<vmem_shared>>)
        tpu.yield
      }) : () -> ()
    }
    %scan3A_7 = arith.constant 79 : i32
    %barrier3A_8 = arith.constant 0 : index
    tpu.barrier barrier_id(%barrier3A_8)
    %mul3A_9 = arith.constant 632 : i32
    %mul3A_10 = arith.muli %arg1, %mul3A_9 : i32
    %mul3A_11 = arith.constant 632 : i32
    %mul3A_12 = arith.muli %arg1, %mul3A_11 : i32
    "tpu.region"() ({
      %run_scoped3A = tpu.sem_alloc : memref<!tpu.dma_semaphore, #tpu.memory_space<semaphore_mem>>
      %dma_start3A = arith.constant 0 : i32
      %dma_start3A_13 = tpu.memref_slice %arg5[%arg0, %mul3A_12, %dma_start3A] : memref<2x10112x128xf32, #tpu.memory_space<hbm>> -> memref<1x632x128xf32, #tpu.memory_space<hbm>>
      %dma_start3A_14 = tpu.memref_squeeze %dma_start3A_13 : memref<1x632x128xf32, #tpu.memory_space<hbm>> -> memref<632x128xf32, #tpu.memory_space<hbm>>
      %dma_start3A_15 = arith.constant 0 : i32
      %dma_start3A_16 = tpu.memref_slice %arg8[%mul3A_10, %dma_start3A_15] : memref<10112x128xf32, #tpu.memory_space<vmem_shared>> -> memref<632x128xf32, #tpu.memory_space<vmem_shared>>
      tpu.enqueue_dma source(%dma_start3A_16 : memref<632x128xf32, #tpu.memory_space<vmem_shared>>) target(%dma_start3A_14 : memref<632x128xf32, #tpu.memory_space<hbm>>) target_semaphore(%run_scoped3A : memref<!tpu.dma_semaphore, #tpu.memory_space<semaphore_mem>>)
      %dma_wait3A = arith.constant 0 : i32
      %dma_wait3A_17 = tpu.memref_slice %arg5[%arg0, %mul3A_12, %dma_wait3A] : memref<2x10112x128xf32, #tpu.memory_space<hbm>> -> memref<1x632x128xf32, #tpu.memory_space<hbm>>
      %dma_wait3A_18 = tpu.memref_squeeze %dma_wait3A_17 : memref<1x632x128xf32, #tpu.memory_space<hbm>> -> memref<632x128xf32, #tpu.memory_space<hbm>>
      %dma_wait3A_19 = arith.constant 0 : i32
      %dma_wait3A_20 = tpu.memref_slice %arg8[%mul3A_10, %dma_wait3A_19] : memref<10112x128xf32, #tpu.memory_space<vmem_shared>> -> memref<632x128xf32, #tpu.memory_space<vmem_shared>>
      tpu.wait_dma2 semaphore(%run_scoped3A : memref<!tpu.dma_semaphore, #tpu.memory_space<semaphore_mem>>) src(%dma_wait3A_20 : memref<632x128xf32, #tpu.memory_space<vmem_shared>>) dst(%dma_wait3A_18 : memref<632x128xf32, #tpu.memory_space<hbm>>)
      tpu.yield
    }) : () -> ()
    return
  }
}

#map = affine_map<(d0, d1) -> (0, 0)>
#map1 = affine_map<(d0, d1) -> (0, 0, 0)>
module attributes {stable_mosaic.version = 14 : i64} {
  func.func @body(%arg0: i32, %arg1: i32, %arg2: memref<5120x128xf32, #tpu.memory_space<hbm>>, %arg3: memref<32x79x128xi32, #tpu.memory_space<hbm>>, %arg4: memref<32x79x128xi32, #tpu.memory_space<hbm>>, %arg5: memref<632x128xf32, #tpu.memory_space<hbm>>, %arg6: memref<2x10112x128xf32, #tpu.memory_space<hbm>>, %arg7: memref<79x128xi32, #tpu.memory_space<vmem>>, %arg8: memref<79x128xi32, #tpu.memory_space<vmem>>, %arg9: memref<128x128xf32, #tpu.memory_space<vmem>>, %arg10: memref<10112x128xf32, #tpu.memory_space<vmem_shared>>, %arg11: memref<!tpu.dma_semaphore, #tpu.memory_space<semaphore_mem>>) attributes {dimension_semantics = [#tpu.dimension_semantics<core_parallel>, #tpu.dimension_semantics<subcore_parallel>], iteration_bounds = array<i64: 2, 16>, scalar_prefetch = 0 : i64, scratch_operands = 5 : i64, tpu.core_type = #tpu.core_type<sc_vector_subcore>, window_params = [{transform_indices = #map}, {transform_indices = #map1}, {transform_indices = #map1}, {transform_indices = #map}, {transform_indices = #map1}]} {
    %mul3A = arith.constant 2 : i32
    %mul3A_0 = arith.muli %arg1, %mul3A : i32
    %add3A = arith.addi %mul3A_0, %arg0 : i32
    "tpu.region"() ({
      %run_scoped3A = tpu.sem_alloc : memref<!tpu.dma_semaphore, #tpu.memory_space<semaphore_mem>>
      %dma_start3A = arith.constant 0 : i32
      %dma_start3A_13 = arith.constant 0 : i32
      %dma_start3A_14 = tpu.memref_slice %arg3[%add3A, %dma_start3A, %dma_start3A_13] : memref<32x79x128xi32, #tpu.memory_space<hbm>> -> memref<1x79x128xi32, #tpu.memory_space<hbm>>
      %dma_start3A_15 = tpu.memref_squeeze %dma_start3A_14 : memref<1x79x128xi32, #tpu.memory_space<hbm>> -> memref<79x128xi32, #tpu.memory_space<hbm>>
      %dma_start3A_16 = arith.constant 0 : i32
      %dma_start3A_17 = arith.constant 0 : i32
      %dma_start3A_18 = tpu.memref_slice %arg3[%add3A, %dma_start3A_16, %dma_start3A_17] : memref<32x79x128xi32, #tpu.memory_space<hbm>> -> memref<1x79x128xi32, #tpu.memory_space<hbm>>
      %dma_start3A_19 = tpu.memref_squeeze %dma_start3A_18 : memref<1x79x128xi32, #tpu.memory_space<hbm>> -> memref<79x128xi32, #tpu.memory_space<hbm>>
      tpu.enqueue_dma source(%dma_start3A_19 : memref<79x128xi32, #tpu.memory_space<hbm>>) target(%arg7 : memref<79x128xi32, #tpu.memory_space<vmem>>) target_semaphore(%run_scoped3A : memref<!tpu.dma_semaphore, #tpu.memory_space<semaphore_mem>>)
      %dma_wait3A = arith.constant 0 : i32
      %dma_wait3A_20 = arith.constant 0 : i32
      %dma_wait3A_21 = tpu.memref_slice %arg3[%add3A, %dma_wait3A, %dma_wait3A_20] : memref<32x79x128xi32, #tpu.memory_space<hbm>> -> memref<1x79x128xi32, #tpu.memory_space<hbm>>
      %dma_wait3A_22 = tpu.memref_squeeze %dma_wait3A_21 : memref<1x79x128xi32, #tpu.memory_space<hbm>> -> memref<79x128xi32, #tpu.memory_space<hbm>>
      %dma_wait3A_23 = arith.constant 0 : i32
      %dma_wait3A_24 = arith.constant 0 : i32
      %dma_wait3A_25 = tpu.memref_slice %arg3[%add3A, %dma_wait3A_23, %dma_wait3A_24] : memref<32x79x128xi32, #tpu.memory_space<hbm>> -> memref<1x79x128xi32, #tpu.memory_space<hbm>>
      %dma_wait3A_26 = tpu.memref_squeeze %dma_wait3A_25 : memref<1x79x128xi32, #tpu.memory_space<hbm>> -> memref<79x128xi32, #tpu.memory_space<hbm>>
      tpu.wait_dma2 semaphore(%run_scoped3A : memref<!tpu.dma_semaphore, #tpu.memory_space<semaphore_mem>>) src(%dma_wait3A_26 : memref<79x128xi32, #tpu.memory_space<hbm>>) dst(%arg7 : memref<79x128xi32, #tpu.memory_space<vmem>>)
      tpu.yield
    }) : () -> ()
    "tpu.region"() ({
      %run_scoped3A = tpu.sem_alloc : memref<!tpu.dma_semaphore, #tpu.memory_space<semaphore_mem>>
      %dma_start3A = arith.constant 0 : i32
      %dma_start3A_13 = arith.constant 0 : i32
      %dma_start3A_14 = tpu.memref_slice %arg4[%add3A, %dma_start3A, %dma_start3A_13] : memref<32x79x128xi32, #tpu.memory_space<hbm>> -> memref<1x79x128xi32, #tpu.memory_space<hbm>>
      %dma_start3A_15 = tpu.memref_squeeze %dma_start3A_14 : memref<1x79x128xi32, #tpu.memory_space<hbm>> -> memref<79x128xi32, #tpu.memory_space<hbm>>
      %dma_start3A_16 = arith.constant 0 : i32
      %dma_start3A_17 = arith.constant 0 : i32
      %dma_start3A_18 = tpu.memref_slice %arg4[%add3A, %dma_start3A_16, %dma_start3A_17] : memref<32x79x128xi32, #tpu.memory_space<hbm>> -> memref<1x79x128xi32, #tpu.memory_space<hbm>>
      %dma_start3A_19 = tpu.memref_squeeze %dma_start3A_18 : memref<1x79x128xi32, #tpu.memory_space<hbm>> -> memref<79x128xi32, #tpu.memory_space<hbm>>
      tpu.enqueue_dma source(%dma_start3A_19 : memref<79x128xi32, #tpu.memory_space<hbm>>) target(%arg8 : memref<79x128xi32, #tpu.memory_space<vmem>>) target_semaphore(%run_scoped3A : memref<!tpu.dma_semaphore, #tpu.memory_space<semaphore_mem>>)
      %dma_wait3A = arith.constant 0 : i32
      %dma_wait3A_20 = arith.constant 0 : i32
      %dma_wait3A_21 = tpu.memref_slice %arg4[%add3A, %dma_wait3A, %dma_wait3A_20] : memref<32x79x128xi32, #tpu.memory_space<hbm>> -> memref<1x79x128xi32, #tpu.memory_space<hbm>>
      %dma_wait3A_22 = tpu.memref_squeeze %dma_wait3A_21 : memref<1x79x128xi32, #tpu.memory_space<hbm>> -> memref<79x128xi32, #tpu.memory_space<hbm>>
      %dma_wait3A_23 = arith.constant 0 : i32
      %dma_wait3A_24 = arith.constant 0 : i32
      %dma_wait3A_25 = tpu.memref_slice %arg4[%add3A, %dma_wait3A_23, %dma_wait3A_24] : memref<32x79x128xi32, #tpu.memory_space<hbm>> -> memref<1x79x128xi32, #tpu.memory_space<hbm>>
      %dma_wait3A_26 = tpu.memref_squeeze %dma_wait3A_25 : memref<1x79x128xi32, #tpu.memory_space<hbm>> -> memref<79x128xi32, #tpu.memory_space<hbm>>
      tpu.wait_dma2 semaphore(%run_scoped3A : memref<!tpu.dma_semaphore, #tpu.memory_space<semaphore_mem>>) src(%dma_wait3A_26 : memref<79x128xi32, #tpu.memory_space<hbm>>) dst(%arg8 : memref<79x128xi32, #tpu.memory_space<vmem>>)
      tpu.yield
    }) : () -> ()
    %mul3A_1 = arith.constant 632 : i32
    %mul3A_2 = arith.muli %arg1, %mul3A_1 : i32
    "tpu.region"() ({
      %run_scoped3A = tpu.sem_alloc : memref<!tpu.dma_semaphore, #tpu.memory_space<semaphore_mem>>
      %dma_start3A = arith.constant 0 : i32
      %dma_start3A_13 = tpu.memref_slice %arg10[%mul3A_2, %dma_start3A] : memref<10112x128xf32, #tpu.memory_space<vmem_shared>> -> memref<632x128xf32, #tpu.memory_space<vmem_shared>>
      %dma_start3A_14 = arith.constant 0 : i32
      %dma_start3A_15 = arith.constant 0 : i32
      %dma_start3A_16 = tpu.memref_slice %arg5[%dma_start3A_14, %dma_start3A_15] : memref<632x128xf32, #tpu.memory_space<hbm>> -> memref<632x128xf32, #tpu.memory_space<hbm>>
      tpu.enqueue_dma source(%dma_start3A_16 : memref<632x128xf32, #tpu.memory_space<hbm>>) target(%dma_start3A_13 : memref<632x128xf32, #tpu.memory_space<vmem_shared>>) target_semaphore(%run_scoped3A : memref<!tpu.dma_semaphore, #tpu.memory_space<semaphore_mem>>)
      %dma_wait3A = arith.constant 0 : i32
      %dma_wait3A_17 = tpu.memref_slice %arg10[%mul3A_2, %dma_wait3A] : memref<10112x128xf32, #tpu.memory_space<vmem_shared>> -> memref<632x128xf32, #tpu.memory_space<vmem_shared>>
      %dma_wait3A_18 = arith.constant 0 : i32
      %dma_wait3A_19 = arith.constant 0 : i32
      %dma_wait3A_20 = tpu.memref_slice %arg5[%dma_wait3A_18, %dma_wait3A_19] : memref<632x128xf32, #tpu.memory_space<hbm>> -> memref<632x128xf32, #tpu.memory_space<hbm>>
      tpu.wait_dma2 semaphore(%run_scoped3A : memref<!tpu.dma_semaphore, #tpu.memory_space<semaphore_mem>>) src(%dma_wait3A_20 : memref<632x128xf32, #tpu.memory_space<hbm>>) dst(%dma_wait3A_17 : memref<632x128xf32, #tpu.memory_space<vmem_shared>>)
      tpu.yield
    }) : () -> ()
    %barrier3A = arith.constant 0 : index
    tpu.barrier barrier_id(%barrier3A)
    %scan3A = arith.constant 0 : i32
    %scan3A_3 = arith.constant 0 : i32
    %scan3A_4 = arith.constant 79 : i32
    %scan3A_5 = arith.addi %scan3A_3, %scan3A_4 : i32
    %scan3A_6 = arith.constant 1 : i32
    scf.for %scan3A_13 = %scan3A_3 to %scan3A_5 step %scan3A_6  : i32 {
      %dma_start3A = arith.constant 0 : i32
      %dma_start3A_14 = tpu.memref_slice %arg7[%scan3A_13, %dma_start3A] : memref<79x128xi32, #tpu.memory_space<vmem>> -> memref<1x128xi32, #tpu.memory_space<vmem>>
      %dma_start3A_15 = tpu.memref_squeeze %dma_start3A_14 : memref<1x128xi32, #tpu.memory_space<vmem>> -> memref<128xi32, #tpu.memory_space<vmem>>
      %dma_start3A_16 = arith.constant 0 : i32
      %dma_start3A_17 = arith.constant 0 : i32
      %dma_start3A_18 = tpu.memref_slice %arg2[%dma_start3A_16, %dma_start3A_17] : memref<5120x128xf32, #tpu.memory_space<hbm>> -> memref<5120x128xf32, #tpu.memory_space<hbm>>
      tpu.enqueue_indirect_dma source(%dma_start3A_18 : memref<5120x128xf32, #tpu.memory_space<hbm>>) target(%arg9 : memref<128x128xf32, #tpu.memory_space<vmem>>) offsets(%dma_start3A_15 : memref<128xi32, #tpu.memory_space<vmem>>) semaphore(%arg11 : memref<!tpu.dma_semaphore, #tpu.memory_space<semaphore_mem>>)
      %dma_wait3A = arith.constant 0 : i32
      %dma_wait3A_19 = tpu.memref_slice %arg7[%scan3A_13, %dma_wait3A] : memref<79x128xi32, #tpu.memory_space<vmem>> -> memref<1x128xi32, #tpu.memory_space<vmem>>
      %dma_wait3A_20 = tpu.memref_squeeze %dma_wait3A_19 : memref<1x128xi32, #tpu.memory_space<vmem>> -> memref<128xi32, #tpu.memory_space<vmem>>
      %dma_wait3A_21 = arith.constant 0 : i32
      %dma_wait3A_22 = arith.constant 0 : i32
      %dma_wait3A_23 = tpu.memref_slice %arg2[%dma_wait3A_21, %dma_wait3A_22] : memref<5120x128xf32, #tpu.memory_space<hbm>> -> memref<5120x128xf32, #tpu.memory_space<hbm>>
      tpu.wait_indirect_dma semaphore(%arg11 : memref<!tpu.dma_semaphore, #tpu.memory_space<semaphore_mem>>) src(%dma_wait3A_23 : memref<5120x128xf32, #tpu.memory_space<hbm>>) dst(%arg9 : memref<128x128xf32, #tpu.memory_space<vmem>>)
      "tpu.region"() ({
        %run_scoped3A = tpu.sem_alloc : memref<!tpu.dma_semaphore, #tpu.memory_space<semaphore_mem>>
        %dma_start3A_24 = arith.constant 0 : i32
        %dma_start3A_25 = tpu.memref_slice %arg8[%scan3A_13, %dma_start3A_24] : memref<79x128xi32, #tpu.memory_space<vmem>> -> memref<1x128xi32, #tpu.memory_space<vmem>>
        %dma_start3A_26 = tpu.memref_squeeze %dma_start3A_25 : memref<1x128xi32, #tpu.memory_space<vmem>> -> memref<128xi32, #tpu.memory_space<vmem>>
        %dma_start3A_27 = arith.constant 0 : i32
        %dma_start3A_28 = arith.constant 0 : i32
        %dma_start3A_29 = tpu.memref_slice %arg10[%dma_start3A_27, %dma_start3A_28] : memref<10112x128xf32, #tpu.memory_space<vmem_shared>> -> memref<10112x128xf32, #tpu.memory_space<vmem_shared>>
        tpu.enqueue_indirect_dma source(%arg9 : memref<128x128xf32, #tpu.memory_space<vmem>>) target(%dma_start3A_29 : memref<10112x128xf32, #tpu.memory_space<vmem_shared>>) offsets(%dma_start3A_26 : memref<128xi32, #tpu.memory_space<vmem>>) semaphore(%run_scoped3A : memref<!tpu.dma_semaphore, #tpu.memory_space<semaphore_mem>>) {add = true}
        %dma_wait3A_30 = arith.constant 0 : i32
        %dma_wait3A_31 = tpu.memref_slice %arg8[%scan3A_13, %dma_wait3A_30] : memref<79x128xi32, #tpu.memory_space<vmem>> -> memref<1x128xi32, #tpu.memory_space<vmem>>
        %dma_wait3A_32 = tpu.memref_squeeze %dma_wait3A_31 : memref<1x128xi32, #tpu.memory_space<vmem>> -> memref<128xi32, #tpu.memory_space<vmem>>
        %dma_wait3A_33 = arith.constant 0 : i32
        %dma_wait3A_34 = arith.constant 0 : i32
        %dma_wait3A_35 = tpu.memref_slice %arg10[%dma_wait3A_33, %dma_wait3A_34] : memref<10112x128xf32, #tpu.memory_space<vmem_shared>> -> memref<10112x128xf32, #tpu.memory_space<vmem_shared>>
        tpu.wait_indirect_dma semaphore(%run_scoped3A : memref<!tpu.dma_semaphore, #tpu.memory_space<semaphore_mem>>) src(%arg9 : memref<128x128xf32, #tpu.memory_space<vmem>>) dst(%dma_wait3A_35 : memref<10112x128xf32, #tpu.memory_space<vmem_shared>>)
        tpu.yield
      }) : () -> ()
    }
    %scan3A_7 = arith.constant 79 : i32
    %barrier3A_8 = arith.constant 0 : index
    tpu.barrier barrier_id(%barrier3A_8)
    %mul3A_9 = arith.constant 632 : i32
    %mul3A_10 = arith.muli %arg1, %mul3A_9 : i32
    %mul3A_11 = arith.constant 632 : i32
    %mul3A_12 = arith.muli %arg1, %mul3A_11 : i32
    "tpu.region"() ({
      %run_scoped3A = tpu.sem_alloc : memref<!tpu.dma_semaphore, #tpu.memory_space<semaphore_mem>>
      %dma_start3A = arith.constant 0 : i32
      %dma_start3A_13 = tpu.memref_slice %arg6[%arg0, %mul3A_12, %dma_start3A] : memref<2x10112x128xf32, #tpu.memory_space<hbm>> -> memref<1x632x128xf32, #tpu.memory_space<hbm>>
      %dma_start3A_14 = tpu.memref_squeeze %dma_start3A_13 : memref<1x632x128xf32, #tpu.memory_space<hbm>> -> memref<632x128xf32, #tpu.memory_space<hbm>>
      %dma_start3A_15 = arith.constant 0 : i32
      %dma_start3A_16 = tpu.memref_slice %arg10[%mul3A_10, %dma_start3A_15] : memref<10112x128xf32, #tpu.memory_space<vmem_shared>> -> memref<632x128xf32, #tpu.memory_space<vmem_shared>>
      tpu.enqueue_dma source(%dma_start3A_16 : memref<632x128xf32, #tpu.memory_space<vmem_shared>>) target(%dma_start3A_14 : memref<632x128xf32, #tpu.memory_space<hbm>>) target_semaphore(%run_scoped3A : memref<!tpu.dma_semaphore, #tpu.memory_space<semaphore_mem>>)
      %dma_wait3A = arith.constant 0 : i32
      %dma_wait3A_17 = tpu.memref_slice %arg6[%arg0, %mul3A_12, %dma_wait3A] : memref<2x10112x128xf32, #tpu.memory_space<hbm>> -> memref<1x632x128xf32, #tpu.memory_space<hbm>>
      %dma_wait3A_18 = tpu.memref_squeeze %dma_wait3A_17 : memref<1x632x128xf32, #tpu.memory_space<hbm>> -> memref<632x128xf32, #tpu.memory_space<hbm>>
      %dma_wait3A_19 = arith.constant 0 : i32
      %dma_wait3A_20 = tpu.memref_slice %arg10[%mul3A_10, %dma_wait3A_19] : memref<10112x128xf32, #tpu.memory_space<vmem_shared>> -> memref<632x128xf32, #tpu.memory_space<vmem_shared>>
      tpu.wait_dma2 semaphore(%run_scoped3A : memref<!tpu.dma_semaphore, #tpu.memory_space<semaphore_mem>>) src(%dma_wait3A_20 : memref<632x128xf32, #tpu.memory_space<vmem_shared>>) dst(%dma_wait3A_18 : memref<632x128xf32, #tpu.memory_space<hbm>>)
      tpu.yield
    }) : () -> ()
    return
  }
}

#map = affine_map<(d0, d1) -> (0, 0)>
#map1 = affine_map<(d0, d1) -> (0, 0, 0)>
module attributes {stable_mosaic.version = 14 : i64} {
  func.func @body(%arg0: i32, %arg1: i32, %arg2: memref<10000x128xf32, #tpu.memory_space<hbm>>, %arg3: memref<32x79x128xi32, #tpu.memory_space<hbm>>, %arg4: memref<32x79x128xi32, #tpu.memory_space<hbm>>, %arg5: memref<632x128xf32, #tpu.memory_space<hbm>>, %arg6: memref<2x5120x128xf32, #tpu.memory_space<hbm>>, %arg7: memref<79x128xi32, #tpu.memory_space<vmem>>, %arg8: memref<79x128xi32, #tpu.memory_space<vmem>>, %arg9: memref<128x128xf32, #tpu.memory_space<vmem>>, %arg10: memref<5120x128xf32, #tpu.memory_space<vmem_shared>>, %arg11: memref<!tpu.dma_semaphore, #tpu.memory_space<semaphore_mem>>) attributes {dimension_semantics = [#tpu.dimension_semantics<core_parallel>, #tpu.dimension_semantics<subcore_parallel>], iteration_bounds = array<i64: 2, 16>, scalar_prefetch = 0 : i64, scratch_operands = 5 : i64, tpu.core_type = #tpu.core_type<sc_vector_subcore>, window_params = [{transform_indices = #map}, {transform_indices = #map1}, {transform_indices = #map1}, {transform_indices = #map}, {transform_indices = #map1}]} {
    %mul3A = arith.constant 2 : i32
    %mul3A_0 = arith.muli %arg1, %mul3A : i32
    %add3A = arith.addi %mul3A_0, %arg0 : i32
    "tpu.region"() ({
      %run_scoped3A = tpu.sem_alloc : memref<!tpu.dma_semaphore, #tpu.memory_space<semaphore_mem>>
      %dma_start3A = arith.constant 0 : i32
      %dma_start3A_13 = arith.constant 0 : i32
      %dma_start3A_14 = tpu.memref_slice %arg3[%add3A, %dma_start3A, %dma_start3A_13] : memref<32x79x128xi32, #tpu.memory_space<hbm>> -> memref<1x79x128xi32, #tpu.memory_space<hbm>>
      %dma_start3A_15 = tpu.memref_squeeze %dma_start3A_14 : memref<1x79x128xi32, #tpu.memory_space<hbm>> -> memref<79x128xi32, #tpu.memory_space<hbm>>
      %dma_start3A_16 = arith.constant 0 : i32
      %dma_start3A_17 = arith.constant 0 : i32
      %dma_start3A_18 = tpu.memref_slice %arg3[%add3A, %dma_start3A_16, %dma_start3A_17] : memref<32x79x128xi32, #tpu.memory_space<hbm>> -> memref<1x79x128xi32, #tpu.memory_space<hbm>>
      %dma_start3A_19 = tpu.memref_squeeze %dma_start3A_18 : memref<1x79x128xi32, #tpu.memory_space<hbm>> -> memref<79x128xi32, #tpu.memory_space<hbm>>
      tpu.enqueue_dma source(%dma_start3A_19 : memref<79x128xi32, #tpu.memory_space<hbm>>) target(%arg7 : memref<79x128xi32, #tpu.memory_space<vmem>>) target_semaphore(%run_scoped3A : memref<!tpu.dma_semaphore, #tpu.memory_space<semaphore_mem>>)
      %dma_wait3A = arith.constant 0 : i32
      %dma_wait3A_20 = arith.constant 0 : i32
      %dma_wait3A_21 = tpu.memref_slice %arg3[%add3A, %dma_wait3A, %dma_wait3A_20] : memref<32x79x128xi32, #tpu.memory_space<hbm>> -> memref<1x79x128xi32, #tpu.memory_space<hbm>>
      %dma_wait3A_22 = tpu.memref_squeeze %dma_wait3A_21 : memref<1x79x128xi32, #tpu.memory_space<hbm>> -> memref<79x128xi32, #tpu.memory_space<hbm>>
      %dma_wait3A_23 = arith.constant 0 : i32
      %dma_wait3A_24 = arith.constant 0 : i32
      %dma_wait3A_25 = tpu.memref_slice %arg3[%add3A, %dma_wait3A_23, %dma_wait3A_24] : memref<32x79x128xi32, #tpu.memory_space<hbm>> -> memref<1x79x128xi32, #tpu.memory_space<hbm>>
      %dma_wait3A_26 = tpu.memref_squeeze %dma_wait3A_25 : memref<1x79x128xi32, #tpu.memory_space<hbm>> -> memref<79x128xi32, #tpu.memory_space<hbm>>
      tpu.wait_dma2 semaphore(%run_scoped3A : memref<!tpu.dma_semaphore, #tpu.memory_space<semaphore_mem>>) src(%dma_wait3A_26 : memref<79x128xi32, #tpu.memory_space<hbm>>) dst(%arg7 : memref<79x128xi32, #tpu.memory_space<vmem>>)
      tpu.yield
    }) : () -> ()
    "tpu.region"() ({
      %run_scoped3A = tpu.sem_alloc : memref<!tpu.dma_semaphore, #tpu.memory_space<semaphore_mem>>
      %dma_start3A = arith.constant 0 : i32
      %dma_start3A_13 = arith.constant 0 : i32
      %dma_start3A_14 = tpu.memref_slice %arg4[%add3A, %dma_start3A, %dma_start3A_13] : memref<32x79x128xi32, #tpu.memory_space<hbm>> -> memref<1x79x128xi32, #tpu.memory_space<hbm>>
      %dma_start3A_15 = tpu.memref_squeeze %dma_start3A_14 : memref<1x79x128xi32, #tpu.memory_space<hbm>> -> memref<79x128xi32, #tpu.memory_space<hbm>>
      %dma_start3A_16 = arith.constant 0 : i32
      %dma_start3A_17 = arith.constant 0 : i32
      %dma_start3A_18 = tpu.memref_slice %arg4[%add3A, %dma_start3A_16, %dma_start3A_17] : memref<32x79x128xi32, #tpu.memory_space<hbm>> -> memref<1x79x128xi32, #tpu.memory_space<hbm>>
      %dma_start3A_19 = tpu.memref_squeeze %dma_start3A_18 : memref<1x79x128xi32, #tpu.memory_space<hbm>> -> memref<79x128xi32, #tpu.memory_space<hbm>>
      tpu.enqueue_dma source(%dma_start3A_19 : memref<79x128xi32, #tpu.memory_space<hbm>>) target(%arg8 : memref<79x128xi32, #tpu.memory_space<vmem>>) target_semaphore(%run_scoped3A : memref<!tpu.dma_semaphore, #tpu.memory_space<semaphore_mem>>)
      %dma_wait3A = arith.constant 0 : i32
      %dma_wait3A_20 = arith.constant 0 : i32
      %dma_wait3A_21 = tpu.memref_slice %arg4[%add3A, %dma_wait3A, %dma_wait3A_20] : memref<32x79x128xi32, #tpu.memory_space<hbm>> -> memref<1x79x128xi32, #tpu.memory_space<hbm>>
      %dma_wait3A_22 = tpu.memref_squeeze %dma_wait3A_21 : memref<1x79x128xi32, #tpu.memory_space<hbm>> -> memref<79x128xi32, #tpu.memory_space<hbm>>
      %dma_wait3A_23 = arith.constant 0 : i32
      %dma_wait3A_24 = arith.constant 0 : i32
      %dma_wait3A_25 = tpu.memref_slice %arg4[%add3A, %dma_wait3A_23, %dma_wait3A_24] : memref<32x79x128xi32, #tpu.memory_space<hbm>> -> memref<1x79x128xi32, #tpu.memory_space<hbm>>
      %dma_wait3A_26 = tpu.memref_squeeze %dma_wait3A_25 : memref<1x79x128xi32, #tpu.memory_space<hbm>> -> memref<79x128xi32, #tpu.memory_space<hbm>>
      tpu.wait_dma2 semaphore(%run_scoped3A : memref<!tpu.dma_semaphore, #tpu.memory_space<semaphore_mem>>) src(%dma_wait3A_26 : memref<79x128xi32, #tpu.memory_space<hbm>>) dst(%arg8 : memref<79x128xi32, #tpu.memory_space<vmem>>)
      tpu.yield
    }) : () -> ()
    %mul3A_1 = arith.constant 320 : i32
    %mul3A_2 = arith.muli %arg1, %mul3A_1 : i32
    "tpu.region"() ({
      %run_scoped3A = tpu.sem_alloc : memref<!tpu.dma_semaphore, #tpu.memory_space<semaphore_mem>>
      %dma_start3A = arith.constant 0 : i32
      %dma_start3A_13 = tpu.memref_slice %arg10[%mul3A_2, %dma_start3A] : memref<5120x128xf32, #tpu.memory_space<vmem_shared>> -> memref<320x128xf32, #tpu.memory_space<vmem_shared>>
      %dma_start3A_14 = arith.constant 0 : i32
      %dma_start3A_15 = arith.constant 0 : i32
      %dma_start3A_16 = tpu.memref_slice %arg5[%dma_start3A_14, %dma_start3A_15] : memref<632x128xf32, #tpu.memory_space<hbm>> -> memref<320x128xf32, #tpu.memory_space<hbm>>
      tpu.enqueue_dma source(%dma_start3A_16 : memref<320x128xf32, #tpu.memory_space<hbm>>) target(%dma_start3A_13 : memref<320x128xf32, #tpu.memory_space<vmem_shared>>) target_semaphore(%run_scoped3A : memref<!tpu.dma_semaphore, #tpu.memory_space<semaphore_mem>>)
      %dma_wait3A = arith.constant 0 : i32
      %dma_wait3A_17 = tpu.memref_slice %arg10[%mul3A_2, %dma_wait3A] : memref<5120x128xf32, #tpu.memory_space<vmem_shared>> -> memref<320x128xf32, #tpu.memory_space<vmem_shared>>
      %dma_wait3A_18 = arith.constant 0 : i32
      %dma_wait3A_19 = arith.constant 0 : i32
      %dma_wait3A_20 = tpu.memref_slice %arg5[%dma_wait3A_18, %dma_wait3A_19] : memref<632x128xf32, #tpu.memory_space<hbm>> -> memref<320x128xf32, #tpu.memory_space<hbm>>
      tpu.wait_dma2 semaphore(%run_scoped3A : memref<!tpu.dma_semaphore, #tpu.memory_space<semaphore_mem>>) src(%dma_wait3A_20 : memref<320x128xf32, #tpu.memory_space<hbm>>) dst(%dma_wait3A_17 : memref<320x128xf32, #tpu.memory_space<vmem_shared>>)
      tpu.yield
    }) : () -> ()
    %barrier3A = arith.constant 0 : index
    tpu.barrier barrier_id(%barrier3A)
    %scan3A = arith.constant 0 : i32
    %scan3A_3 = arith.constant 0 : i32
    %scan3A_4 = arith.constant 79 : i32
    %scan3A_5 = arith.addi %scan3A_3, %scan3A_4 : i32
    %scan3A_6 = arith.constant 1 : i32
    scf.for %scan3A_13 = %scan3A_3 to %scan3A_5 step %scan3A_6  : i32 {
      %dma_start3A = arith.constant 0 : i32
      %dma_start3A_14 = tpu.memref_slice %arg7[%scan3A_13, %dma_start3A] : memref<79x128xi32, #tpu.memory_space<vmem>> -> memref<1x128xi32, #tpu.memory_space<vmem>>
      %dma_start3A_15 = tpu.memref_squeeze %dma_start3A_14 : memref<1x128xi32, #tpu.memory_space<vmem>> -> memref<128xi32, #tpu.memory_space<vmem>>
      %dma_start3A_16 = arith.constant 0 : i32
      %dma_start3A_17 = arith.constant 0 : i32
      %dma_start3A_18 = tpu.memref_slice %arg2[%dma_start3A_16, %dma_start3A_17] : memref<10000x128xf32, #tpu.memory_space<hbm>> -> memref<10000x128xf32, #tpu.memory_space<hbm>>
      tpu.enqueue_indirect_dma source(%dma_start3A_18 : memref<10000x128xf32, #tpu.memory_space<hbm>>) target(%arg9 : memref<128x128xf32, #tpu.memory_space<vmem>>) offsets(%dma_start3A_15 : memref<128xi32, #tpu.memory_space<vmem>>) semaphore(%arg11 : memref<!tpu.dma_semaphore, #tpu.memory_space<semaphore_mem>>)
      %dma_wait3A = arith.constant 0 : i32
      %dma_wait3A_19 = tpu.memref_slice %arg7[%scan3A_13, %dma_wait3A] : memref<79x128xi32, #tpu.memory_space<vmem>> -> memref<1x128xi32, #tpu.memory_space<vmem>>
      %dma_wait3A_20 = tpu.memref_squeeze %dma_wait3A_19 : memref<1x128xi32, #tpu.memory_space<vmem>> -> memref<128xi32, #tpu.memory_space<vmem>>
      %dma_wait3A_21 = arith.constant 0 : i32
      %dma_wait3A_22 = arith.constant 0 : i32
      %dma_wait3A_23 = tpu.memref_slice %arg2[%dma_wait3A_21, %dma_wait3A_22] : memref<10000x128xf32, #tpu.memory_space<hbm>> -> memref<10000x128xf32, #tpu.memory_space<hbm>>
      tpu.wait_indirect_dma semaphore(%arg11 : memref<!tpu.dma_semaphore, #tpu.memory_space<semaphore_mem>>) src(%dma_wait3A_23 : memref<10000x128xf32, #tpu.memory_space<hbm>>) dst(%arg9 : memref<128x128xf32, #tpu.memory_space<vmem>>)
      "tpu.region"() ({
        %run_scoped3A = tpu.sem_alloc : memref<!tpu.dma_semaphore, #tpu.memory_space<semaphore_mem>>
        %dma_start3A_24 = arith.constant 0 : i32
        %dma_start3A_25 = tpu.memref_slice %arg8[%scan3A_13, %dma_start3A_24] : memref<79x128xi32, #tpu.memory_space<vmem>> -> memref<1x128xi32, #tpu.memory_space<vmem>>
        %dma_start3A_26 = tpu.memref_squeeze %dma_start3A_25 : memref<1x128xi32, #tpu.memory_space<vmem>> -> memref<128xi32, #tpu.memory_space<vmem>>
        %dma_start3A_27 = arith.constant 0 : i32
        %dma_start3A_28 = arith.constant 0 : i32
        %dma_start3A_29 = tpu.memref_slice %arg10[%dma_start3A_27, %dma_start3A_28] : memref<5120x128xf32, #tpu.memory_space<vmem_shared>> -> memref<5120x128xf32, #tpu.memory_space<vmem_shared>>
        tpu.enqueue_indirect_dma source(%arg9 : memref<128x128xf32, #tpu.memory_space<vmem>>) target(%dma_start3A_29 : memref<5120x128xf32, #tpu.memory_space<vmem_shared>>) offsets(%dma_start3A_26 : memref<128xi32, #tpu.memory_space<vmem>>) semaphore(%run_scoped3A : memref<!tpu.dma_semaphore, #tpu.memory_space<semaphore_mem>>) {add = true}
        %dma_wait3A_30 = arith.constant 0 : i32
        %dma_wait3A_31 = tpu.memref_slice %arg8[%scan3A_13, %dma_wait3A_30] : memref<79x128xi32, #tpu.memory_space<vmem>> -> memref<1x128xi32, #tpu.memory_space<vmem>>
        %dma_wait3A_32 = tpu.memref_squeeze %dma_wait3A_31 : memref<1x128xi32, #tpu.memory_space<vmem>> -> memref<128xi32, #tpu.memory_space<vmem>>
        %dma_wait3A_33 = arith.constant 0 : i32
        %dma_wait3A_34 = arith.constant 0 : i32
        %dma_wait3A_35 = tpu.memref_slice %arg10[%dma_wait3A_33, %dma_wait3A_34] : memref<5120x128xf32, #tpu.memory_space<vmem_shared>> -> memref<5120x128xf32, #tpu.memory_space<vmem_shared>>
        tpu.wait_indirect_dma semaphore(%run_scoped3A : memref<!tpu.dma_semaphore, #tpu.memory_space<semaphore_mem>>) src(%arg9 : memref<128x128xf32, #tpu.memory_space<vmem>>) dst(%dma_wait3A_35 : memref<5120x128xf32, #tpu.memory_space<vmem_shared>>)
        tpu.yield
      }) : () -> ()
    }
    %scan3A_7 = arith.constant 79 : i32
    %barrier3A_8 = arith.constant 0 : index
    tpu.barrier barrier_id(%barrier3A_8)
    %mul3A_9 = arith.constant 320 : i32
    %mul3A_10 = arith.muli %arg1, %mul3A_9 : i32
    %mul3A_11 = arith.constant 320 : i32
    %mul3A_12 = arith.muli %arg1, %mul3A_11 : i32
    "tpu.region"() ({
      %run_scoped3A = tpu.sem_alloc : memref<!tpu.dma_semaphore, #tpu.memory_space<semaphore_mem>>
      %dma_start3A = arith.constant 0 : i32
      %dma_start3A_13 = tpu.memref_slice %arg6[%arg0, %mul3A_12, %dma_start3A] : memref<2x5120x128xf32, #tpu.memory_space<hbm>> -> memref<1x320x128xf32, #tpu.memory_space<hbm>>
      %dma_start3A_14 = tpu.memref_squeeze %dma_start3A_13 : memref<1x320x128xf32, #tpu.memory_space<hbm>> -> memref<320x128xf32, #tpu.memory_space<hbm>>
      %dma_start3A_15 = arith.constant 0 : i32
      %dma_start3A_16 = tpu.memref_slice %arg10[%mul3A_10, %dma_start3A_15] : memref<5120x128xf32, #tpu.memory_space<vmem_shared>> -> memref<320x128xf32, #tpu.memory_space<vmem_shared>>
      tpu.enqueue_dma source(%dma_start3A_16 : memref<320x128xf32, #tpu.memory_space<vmem_shared>>) target(%dma_start3A_14 : memref<320x128xf32, #tpu.memory_space<hbm>>) target_semaphore(%run_scoped3A : memref<!tpu.dma_semaphore, #tpu.memory_space<semaphore_mem>>)
      %dma_wait3A = arith.constant 0 : i32
      %dma_wait3A_17 = tpu.memref_slice %arg6[%arg0, %mul3A_12, %dma_wait3A] : memref<2x5120x128xf32, #tpu.memory_space<hbm>> -> memref<1x320x128xf32, #tpu.memory_space<hbm>>
      %dma_wait3A_18 = tpu.memref_squeeze %dma_wait3A_17 : memref<1x320x128xf32, #tpu.memory_space<hbm>> -> memref<320x128xf32, #tpu.memory_space<hbm>>
      %dma_wait3A_19 = arith.constant 0 : i32
      %dma_wait3A_20 = tpu.memref_slice %arg10[%mul3A_10, %dma_wait3A_19] : memref<5120x128xf32, #tpu.memory_space<vmem_shared>> -> memref<320x128xf32, #tpu.memory_space<vmem_shared>>
      tpu.wait_dma2 semaphore(%run_scoped3A : memref<!tpu.dma_semaphore, #tpu.memory_space<semaphore_mem>>) src(%dma_wait3A_20 : memref<320x128xf32, #tpu.memory_space<vmem_shared>>) dst(%dma_wait3A_18 : memref<320x128xf32, #tpu.memory_space<hbm>>)
      tpu.yield
    }) : () -> ()
    return
  }
}

#map = affine_map<(d0, d1) -> (0, 0)>
#map1 = affine_map<(d0, d1) -> (0, 0, 0)>
module attributes {stable_mosaic.version = 14 : i64} {
  func.func @body(%arg0: i32, %arg1: i32, %arg2: memref<5120x128xf32, #tpu.memory_space<hbm>>, %arg3: memref<32x79x128xi32, #tpu.memory_space<hbm>>, %arg4: memref<32x79x128xi32, #tpu.memory_space<hbm>>, %arg5: memref<632x128xf32, #tpu.memory_space<hbm>>, %arg6: memref<2x10112x128xf32, #tpu.memory_space<hbm>>, %arg7: memref<79x128xi32, #tpu.memory_space<vmem>>, %arg8: memref<79x128xi32, #tpu.memory_space<vmem>>, %arg9: memref<128x128xf32, #tpu.memory_space<vmem>>, %arg10: memref<10112x128xf32, #tpu.memory_space<vmem_shared>>, %arg11: memref<!tpu.dma_semaphore, #tpu.memory_space<semaphore_mem>>) attributes {dimension_semantics = [#tpu.dimension_semantics<core_parallel>, #tpu.dimension_semantics<subcore_parallel>], iteration_bounds = array<i64: 2, 16>, scalar_prefetch = 0 : i64, scratch_operands = 5 : i64, tpu.core_type = #tpu.core_type<sc_vector_subcore>, window_params = [{transform_indices = #map}, {transform_indices = #map1}, {transform_indices = #map1}, {transform_indices = #map}, {transform_indices = #map1}]} {
    %mul3A = arith.constant 2 : i32
    %mul3A_0 = arith.muli %arg1, %mul3A : i32
    %add3A = arith.addi %mul3A_0, %arg0 : i32
    "tpu.region"() ({
      %run_scoped3A = tpu.sem_alloc : memref<!tpu.dma_semaphore, #tpu.memory_space<semaphore_mem>>
      %dma_start3A = arith.constant 0 : i32
      %dma_start3A_13 = arith.constant 0 : i32
      %dma_start3A_14 = tpu.memref_slice %arg3[%add3A, %dma_start3A, %dma_start3A_13] : memref<32x79x128xi32, #tpu.memory_space<hbm>> -> memref<1x79x128xi32, #tpu.memory_space<hbm>>
      %dma_start3A_15 = tpu.memref_squeeze %dma_start3A_14 : memref<1x79x128xi32, #tpu.memory_space<hbm>> -> memref<79x128xi32, #tpu.memory_space<hbm>>
      %dma_start3A_16 = arith.constant 0 : i32
      %dma_start3A_17 = arith.constant 0 : i32
      %dma_start3A_18 = tpu.memref_slice %arg3[%add3A, %dma_start3A_16, %dma_start3A_17] : memref<32x79x128xi32, #tpu.memory_space<hbm>> -> memref<1x79x128xi32, #tpu.memory_space<hbm>>
      %dma_start3A_19 = tpu.memref_squeeze %dma_start3A_18 : memref<1x79x128xi32, #tpu.memory_space<hbm>> -> memref<79x128xi32, #tpu.memory_space<hbm>>
      tpu.enqueue_dma source(%dma_start3A_19 : memref<79x128xi32, #tpu.memory_space<hbm>>) target(%arg7 : memref<79x128xi32, #tpu.memory_space<vmem>>) target_semaphore(%run_scoped3A : memref<!tpu.dma_semaphore, #tpu.memory_space<semaphore_mem>>)
      %dma_wait3A = arith.constant 0 : i32
      %dma_wait3A_20 = arith.constant 0 : i32
      %dma_wait3A_21 = tpu.memref_slice %arg3[%add3A, %dma_wait3A, %dma_wait3A_20] : memref<32x79x128xi32, #tpu.memory_space<hbm>> -> memref<1x79x128xi32, #tpu.memory_space<hbm>>
      %dma_wait3A_22 = tpu.memref_squeeze %dma_wait3A_21 : memref<1x79x128xi32, #tpu.memory_space<hbm>> -> memref<79x128xi32, #tpu.memory_space<hbm>>
      %dma_wait3A_23 = arith.constant 0 : i32
      %dma_wait3A_24 = arith.constant 0 : i32
      %dma_wait3A_25 = tpu.memref_slice %arg3[%add3A, %dma_wait3A_23, %dma_wait3A_24] : memref<32x79x128xi32, #tpu.memory_space<hbm>> -> memref<1x79x128xi32, #tpu.memory_space<hbm>>
      %dma_wait3A_26 = tpu.memref_squeeze %dma_wait3A_25 : memref<1x79x128xi32, #tpu.memory_space<hbm>> -> memref<79x128xi32, #tpu.memory_space<hbm>>
      tpu.wait_dma2 semaphore(%run_scoped3A : memref<!tpu.dma_semaphore, #tpu.memory_space<semaphore_mem>>) src(%dma_wait3A_26 : memref<79x128xi32, #tpu.memory_space<hbm>>) dst(%arg7 : memref<79x128xi32, #tpu.memory_space<vmem>>)
      tpu.yield
    }) : () -> ()
    "tpu.region"() ({
      %run_scoped3A = tpu.sem_alloc : memref<!tpu.dma_semaphore, #tpu.memory_space<semaphore_mem>>
      %dma_start3A = arith.constant 0 : i32
      %dma_start3A_13 = arith.constant 0 : i32
      %dma_start3A_14 = tpu.memref_slice %arg4[%add3A, %dma_start3A, %dma_start3A_13] : memref<32x79x128xi32, #tpu.memory_space<hbm>> -> memref<1x79x128xi32, #tpu.memory_space<hbm>>
      %dma_start3A_15 = tpu.memref_squeeze %dma_start3A_14 : memref<1x79x128xi32, #tpu.memory_space<hbm>> -> memref<79x128xi32, #tpu.memory_space<hbm>>
      %dma_start3A_16 = arith.constant 0 : i32
      %dma_start3A_17 = arith.constant 0 : i32
      %dma_start3A_18 = tpu.memref_slice %arg4[%add3A, %dma_start3A_16, %dma_start3A_17] : memref<32x79x128xi32, #tpu.memory_space<hbm>> -> memref<1x79x128xi32, #tpu.memory_space<hbm>>
      %dma_start3A_19 = tpu.memref_squeeze %dma_start3A_18 : memref<1x79x128xi32, #tpu.memory_space<hbm>> -> memref<79x128xi32, #tpu.memory_space<hbm>>
      tpu.enqueue_dma source(%dma_start3A_19 : memref<79x128xi32, #tpu.memory_space<hbm>>) target(%arg8 : memref<79x128xi32, #tpu.memory_space<vmem>>) target_semaphore(%run_scoped3A : memref<!tpu.dma_semaphore, #tpu.memory_space<semaphore_mem>>)
      %dma_wait3A = arith.constant 0 : i32
      %dma_wait3A_20 = arith.constant 0 : i32
      %dma_wait3A_21 = tpu.memref_slice %arg4[%add3A, %dma_wait3A, %dma_wait3A_20] : memref<32x79x128xi32, #tpu.memory_space<hbm>> -> memref<1x79x128xi32, #tpu.memory_space<hbm>>
      %dma_wait3A_22 = tpu.memref_squeeze %dma_wait3A_21 : memref<1x79x128xi32, #tpu.memory_space<hbm>> -> memref<79x128xi32, #tpu.memory_space<hbm>>
      %dma_wait3A_23 = arith.constant 0 : i32
      %dma_wait3A_24 = arith.constant 0 : i32
      %dma_wait3A_25 = tpu.memref_slice %arg4[%add3A, %dma_wait3A_23, %dma_wait3A_24] : memref<32x79x128xi32, #tpu.memory_space<hbm>> -> memref<1x79x128xi32, #tpu.memory_space<hbm>>
      %dma_wait3A_26 = tpu.memref_squeeze %dma_wait3A_25 : memref<1x79x128xi32, #tpu.memory_space<hbm>> -> memref<79x128xi32, #tpu.memory_space<hbm>>
      tpu.wait_dma2 semaphore(%run_scoped3A : memref<!tpu.dma_semaphore, #tpu.memory_space<semaphore_mem>>) src(%dma_wait3A_26 : memref<79x128xi32, #tpu.memory_space<hbm>>) dst(%arg8 : memref<79x128xi32, #tpu.memory_space<vmem>>)
      tpu.yield
    }) : () -> ()
    %mul3A_1 = arith.constant 632 : i32
    %mul3A_2 = arith.muli %arg1, %mul3A_1 : i32
    "tpu.region"() ({
      %run_scoped3A = tpu.sem_alloc : memref<!tpu.dma_semaphore, #tpu.memory_space<semaphore_mem>>
      %dma_start3A = arith.constant 0 : i32
      %dma_start3A_13 = tpu.memref_slice %arg10[%mul3A_2, %dma_start3A] : memref<10112x128xf32, #tpu.memory_space<vmem_shared>> -> memref<632x128xf32, #tpu.memory_space<vmem_shared>>
      %dma_start3A_14 = arith.constant 0 : i32
      %dma_start3A_15 = arith.constant 0 : i32
      %dma_start3A_16 = tpu.memref_slice %arg5[%dma_start3A_14, %dma_start3A_15] : memref<632x128xf32, #tpu.memory_space<hbm>> -> memref<632x128xf32, #tpu.memory_space<hbm>>
      tpu.enqueue_dma source(%dma_start3A_16 : memref<632x128xf32, #tpu.memory_space<hbm>>) target(%dma_start3A_13 : memref<632x128xf32, #tpu.memory_space<vmem_shared>>) target_semaphore(%run_scoped3A : memref<!tpu.dma_semaphore, #tpu.memory_space<semaphore_mem>>)
      %dma_wait3A = arith.constant 0 : i32
      %dma_wait3A_17 = tpu.memref_slice %arg10[%mul3A_2, %dma_wait3A] : memref<10112x128xf32, #tpu.memory_space<vmem_shared>> -> memref<632x128xf32, #tpu.memory_space<vmem_shared>>
      %dma_wait3A_18 = arith.constant 0 : i32
      %dma_wait3A_19 = arith.constant 0 : i32
      %dma_wait3A_20 = tpu.memref_slice %arg5[%dma_wait3A_18, %dma_wait3A_19] : memref<632x128xf32, #tpu.memory_space<hbm>> -> memref<632x128xf32, #tpu.memory_space<hbm>>
      tpu.wait_dma2 semaphore(%run_scoped3A : memref<!tpu.dma_semaphore, #tpu.memory_space<semaphore_mem>>) src(%dma_wait3A_20 : memref<632x128xf32, #tpu.memory_space<hbm>>) dst(%dma_wait3A_17 : memref<632x128xf32, #tpu.memory_space<vmem_shared>>)
      tpu.yield
    }) : () -> ()
    %barrier3A = arith.constant 0 : index
    tpu.barrier barrier_id(%barrier3A)
    %scan3A = arith.constant 0 : i32
    %scan3A_3 = arith.constant 0 : i32
    %scan3A_4 = arith.constant 79 : i32
    %scan3A_5 = arith.addi %scan3A_3, %scan3A_4 : i32
    %scan3A_6 = arith.constant 1 : i32
    scf.for %scan3A_13 = %scan3A_3 to %scan3A_5 step %scan3A_6  : i32 {
      %dma_start3A = arith.constant 0 : i32
      %dma_start3A_14 = tpu.memref_slice %arg7[%scan3A_13, %dma_start3A] : memref<79x128xi32, #tpu.memory_space<vmem>> -> memref<1x128xi32, #tpu.memory_space<vmem>>
      %dma_start3A_15 = tpu.memref_squeeze %dma_start3A_14 : memref<1x128xi32, #tpu.memory_space<vmem>> -> memref<128xi32, #tpu.memory_space<vmem>>
      %dma_start3A_16 = arith.constant 0 : i32
      %dma_start3A_17 = arith.constant 0 : i32
      %dma_start3A_18 = tpu.memref_slice %arg2[%dma_start3A_16, %dma_start3A_17] : memref<5120x128xf32, #tpu.memory_space<hbm>> -> memref<5120x128xf32, #tpu.memory_space<hbm>>
      tpu.enqueue_indirect_dma source(%dma_start3A_18 : memref<5120x128xf32, #tpu.memory_space<hbm>>) target(%arg9 : memref<128x128xf32, #tpu.memory_space<vmem>>) offsets(%dma_start3A_15 : memref<128xi32, #tpu.memory_space<vmem>>) semaphore(%arg11 : memref<!tpu.dma_semaphore, #tpu.memory_space<semaphore_mem>>)
      %dma_wait3A = arith.constant 0 : i32
      %dma_wait3A_19 = tpu.memref_slice %arg7[%scan3A_13, %dma_wait3A] : memref<79x128xi32, #tpu.memory_space<vmem>> -> memref<1x128xi32, #tpu.memory_space<vmem>>
      %dma_wait3A_20 = tpu.memref_squeeze %dma_wait3A_19 : memref<1x128xi32, #tpu.memory_space<vmem>> -> memref<128xi32, #tpu.memory_space<vmem>>
      %dma_wait3A_21 = arith.constant 0 : i32
      %dma_wait3A_22 = arith.constant 0 : i32
      %dma_wait3A_23 = tpu.memref_slice %arg2[%dma_wait3A_21, %dma_wait3A_22] : memref<5120x128xf32, #tpu.memory_space<hbm>> -> memref<5120x128xf32, #tpu.memory_space<hbm>>
      tpu.wait_indirect_dma semaphore(%arg11 : memref<!tpu.dma_semaphore, #tpu.memory_space<semaphore_mem>>) src(%dma_wait3A_23 : memref<5120x128xf32, #tpu.memory_space<hbm>>) dst(%arg9 : memref<128x128xf32, #tpu.memory_space<vmem>>)
      "tpu.region"() ({
        %run_scoped3A = tpu.sem_alloc : memref<!tpu.dma_semaphore, #tpu.memory_space<semaphore_mem>>
        %dma_start3A_24 = arith.constant 0 : i32
        %dma_start3A_25 = tpu.memref_slice %arg8[%scan3A_13, %dma_start3A_24] : memref<79x128xi32, #tpu.memory_space<vmem>> -> memref<1x128xi32, #tpu.memory_space<vmem>>
        %dma_start3A_26 = tpu.memref_squeeze %dma_start3A_25 : memref<1x128xi32, #tpu.memory_space<vmem>> -> memref<128xi32, #tpu.memory_space<vmem>>
        %dma_start3A_27 = arith.constant 0 : i32
        %dma_start3A_28 = arith.constant 0 : i32
        %dma_start3A_29 = tpu.memref_slice %arg10[%dma_start3A_27, %dma_start3A_28] : memref<10112x128xf32, #tpu.memory_space<vmem_shared>> -> memref<10112x128xf32, #tpu.memory_space<vmem_shared>>
        tpu.enqueue_indirect_dma source(%arg9 : memref<128x128xf32, #tpu.memory_space<vmem>>) target(%dma_start3A_29 : memref<10112x128xf32, #tpu.memory_space<vmem_shared>>) offsets(%dma_start3A_26 : memref<128xi32, #tpu.memory_space<vmem>>) semaphore(%run_scoped3A : memref<!tpu.dma_semaphore, #tpu.memory_space<semaphore_mem>>) {add = true}
        %dma_wait3A_30 = arith.constant 0 : i32
        %dma_wait3A_31 = tpu.memref_slice %arg8[%scan3A_13, %dma_wait3A_30] : memref<79x128xi32, #tpu.memory_space<vmem>> -> memref<1x128xi32, #tpu.memory_space<vmem>>
        %dma_wait3A_32 = tpu.memref_squeeze %dma_wait3A_31 : memref<1x128xi32, #tpu.memory_space<vmem>> -> memref<128xi32, #tpu.memory_space<vmem>>
        %dma_wait3A_33 = arith.constant 0 : i32
        %dma_wait3A_34 = arith.constant 0 : i32
        %dma_wait3A_35 = tpu.memref_slice %arg10[%dma_wait3A_33, %dma_wait3A_34] : memref<10112x128xf32, #tpu.memory_space<vmem_shared>> -> memref<10112x128xf32, #tpu.memory_space<vmem_shared>>
        tpu.wait_indirect_dma semaphore(%run_scoped3A : memref<!tpu.dma_semaphore, #tpu.memory_space<semaphore_mem>>) src(%arg9 : memref<128x128xf32, #tpu.memory_space<vmem>>) dst(%dma_wait3A_35 : memref<10112x128xf32, #tpu.memory_space<vmem_shared>>)
        tpu.yield
      }) : () -> ()
    }
    %scan3A_7 = arith.constant 79 : i32
    %barrier3A_8 = arith.constant 0 : index
    tpu.barrier barrier_id(%barrier3A_8)
    %mul3A_9 = arith.constant 632 : i32
    %mul3A_10 = arith.muli %arg1, %mul3A_9 : i32
    %mul3A_11 = arith.constant 632 : i32
    %mul3A_12 = arith.muli %arg1, %mul3A_11 : i32
    "tpu.region"() ({
      %run_scoped3A = tpu.sem_alloc : memref<!tpu.dma_semaphore, #tpu.memory_space<semaphore_mem>>
      %dma_start3A = arith.constant 0 : i32
      %dma_start3A_13 = tpu.memref_slice %arg6[%arg0, %mul3A_12, %dma_start3A] : memref<2x10112x128xf32, #tpu.memory_space<hbm>> -> memref<1x632x128xf32, #tpu.memory_space<hbm>>
      %dma_start3A_14 = tpu.memref_squeeze %dma_start3A_13 : memref<1x632x128xf32, #tpu.memory_space<hbm>> -> memref<632x128xf32, #tpu.memory_space<hbm>>
      %dma_start3A_15 = arith.constant 0 : i32
      %dma_start3A_16 = tpu.memref_slice %arg10[%mul3A_10, %dma_start3A_15] : memref<10112x128xf32, #tpu.memory_space<vmem_shared>> -> memref<632x128xf32, #tpu.memory_space<vmem_shared>>
      tpu.enqueue_dma source(%dma_start3A_16 : memref<632x128xf32, #tpu.memory_space<vmem_shared>>) target(%dma_start3A_14 : memref<632x128xf32, #tpu.memory_space<hbm>>) target_semaphore(%run_scoped3A : memref<!tpu.dma_semaphore, #tpu.memory_space<semaphore_mem>>)
      %dma_wait3A = arith.constant 0 : i32
      %dma_wait3A_17 = tpu.memref_slice %arg6[%arg0, %mul3A_12, %dma_wait3A] : memref<2x10112x128xf32, #tpu.memory_space<hbm>> -> memref<1x632x128xf32, #tpu.memory_space<hbm>>
      %dma_wait3A_18 = tpu.memref_squeeze %dma_wait3A_17 : memref<1x632x128xf32, #tpu.memory_space<hbm>> -> memref<632x128xf32, #tpu.memory_space<hbm>>
      %dma_wait3A_19 = arith.constant 0 : i32
      %dma_wait3A_20 = tpu.memref_slice %arg10[%mul3A_10, %dma_wait3A_19] : memref<10112x128xf32, #tpu.memory_space<vmem_shared>> -> memref<632x128xf32, #tpu.memory_space<vmem_shared>>
      tpu.wait_dma2 semaphore(%run_scoped3A : memref<!tpu.dma_semaphore, #tpu.memory_space<semaphore_mem>>) src(%dma_wait3A_20 : memref<632x128xf32, #tpu.memory_space<vmem_shared>>) dst(%dma_wait3A_18 : memref<632x128xf32, #tpu.memory_space<hbm>>)
      tpu.yield
    }) : () -> ()
    return
  }
}

module attributes {stable_mosaic.version = 14 : i64} {
  func.func @_mm_body(%arg0: memref<2x5120x128xf32, #tpu.memory_space<vmem>>, %arg1: memref<2x5120x128xf32, #tpu.memory_space<vmem>>, %arg2: memref<128x128xf32, #tpu.memory_space<vmem>>, %arg3: memref<1x128xf32, #tpu.memory_space<vmem>>, %arg4: memref<128x128xf32, #tpu.memory_space<vmem>>, %arg5: memref<5120x128xf32, #tpu.memory_space<vmem>>) attributes {dimension_semantics = [], scalar_prefetch = 0 : i64, scratch_operands = 0 : i64, tpu.core_type = #tpu.core_type<tc>} {
    %get3A = arith.constant 0 : index
    %get3A_0 = arith.constant 0 : index
    %get3A_1 = arith.constant 0 : index
    %get3A_2 = vector.load %arg0[%get3A, %get3A_0, %get3A_1] : memref<2x5120x128xf32, #tpu.memory_space<vmem>>, vector<1x5120x128xf32>
    %get3A_3 = vector.shape_cast %get3A_2 : vector<1x5120x128xf32> to vector<5120x128xf32>
    %get3A_4 = arith.constant 1 : index
    %get3A_5 = arith.constant 0 : index
    %get3A_6 = arith.constant 0 : index
    %get3A_7 = vector.load %arg0[%get3A_4, %get3A_5, %get3A_6] : memref<2x5120x128xf32, #tpu.memory_space<vmem>>, vector<1x5120x128xf32>
    %get3A_8 = vector.shape_cast %get3A_7 : vector<1x5120x128xf32> to vector<5120x128xf32>
    %add3A = arith.addf %get3A_3, %get3A_8 : vector<5120x128xf32>
    %get3A_9 = arith.constant 0 : index
    %get3A_10 = arith.constant 0 : index
    %get3A_11 = arith.constant 0 : index
    %get3A_12 = vector.load %arg1[%get3A_9, %get3A_10, %get3A_11] : memref<2x5120x128xf32, #tpu.memory_space<vmem>>, vector<1x5120x1xf32>
    %get3A_13 = vector.shape_cast %get3A_12 : vector<1x5120x1xf32> to vector<5120x1xf32>
    %get3A_14 = arith.constant 1 : index
    %get3A_15 = arith.constant 0 : index
    %get3A_16 = arith.constant 0 : index
    %get3A_17 = vector.load %arg1[%get3A_14, %get3A_15, %get3A_16] : memref<2x5120x128xf32, #tpu.memory_space<vmem>>, vector<1x5120x1xf32>
    %get3A_18 = vector.shape_cast %get3A_17 : vector<1x5120x1xf32> to vector<5120x1xf32>
    %add3A_19 = arith.addf %get3A_13, %get3A_18 : vector<5120x1xf32>
    %max3A = arith.constant 1.000000e+00 : f32
    %max3A_20 = vector.broadcast %max3A : f32 to vector<5120x1xf32>
    %max3A_21 = arith.maximumf %add3A_19, %max3A_20 : vector<5120x1xf32>
    %div3A = vector.broadcast %max3A_21 : vector<5120x1xf32> to vector<5120x128xf32>
    %div3A_22 = arith.divf %add3A, %div3A : vector<5120x128xf32>
    %get3A_23 = arith.constant 0 : index
    %get3A_24 = arith.constant 0 : index
    %get3A_25 = vector.load %arg2[%get3A_23, %get3A_24] : memref<128x128xf32, #tpu.memory_space<vmem>>, vector<128x128xf32>
    %dot_general3A = arith.constant dense<0.000000e+00> : vector<5120x128xf32>
    %dot_general3A_26 = tpu.matmul %div3A_22, %get3A_25, %dot_general3A {dimension_numbers = #tpu.dot_dimension_numbers<[1], [0], [0], [1], [0, 0, 1, 1], [], []>, transpose_lhs_hint = false} : vector<5120x128xf32>, vector<128x128xf32>, vector<5120x128xf32> -> vector<5120x128xf32>
    %get3A_27 = arith.constant 0 : index
    %get3A_28 = arith.constant 0 : index
    %get3A_29 = vector.load %arg3[%get3A_27, %get3A_28] : memref<1x128xf32, #tpu.memory_space<vmem>>, vector<1x128xf32>
    %add3A_30 = vector.broadcast %get3A_29 : vector<1x128xf32> to vector<5120x128xf32>
    %add3A_31 = arith.addf %dot_general3A_26, %add3A_30 : vector<5120x128xf32>
    %max3A_32 = arith.constant 0.000000e+00 : f32
    %max3A_33 = vector.broadcast %max3A_32 : f32 to vector<5120x128xf32>
    %max3A_34 = arith.maximumf %add3A_31, %max3A_33 : vector<5120x128xf32>
    %get3A_35 = arith.constant 0 : index
    %get3A_36 = arith.constant 0 : index
    %get3A_37 = vector.load %arg4[%get3A_35, %get3A_36] : memref<128x128xf32, #tpu.memory_space<vmem>>, vector<128x128xf32>
    %dot_general3A_38 = arith.constant dense<0.000000e+00> : vector<5120x128xf32>
    %dot_general3A_39 = tpu.matmul %max3A_34, %get3A_37, %dot_general3A_38 {dimension_numbers = #tpu.dot_dimension_numbers<[1], [0], [0], [1], [0, 0, 1, 1], [], []>, transpose_lhs_hint = false} : vector<5120x128xf32>, vector<128x128xf32>, vector<5120x128xf32> -> vector<5120x128xf32>
    %swap3A = arith.constant 0 : index
    %swap3A_40 = arith.constant 0 : index
    %swap3A_41 = vector.load %arg5[%swap3A, %swap3A_40] : memref<5120x128xf32, #tpu.memory_space<vmem>>, vector<5120x128xf32>
    tpu.vector_store %arg5[%swap3A, %swap3A_40], %dot_general3A_39 {strides = array<i32>} : memref<5120x128xf32, #tpu.memory_space<vmem>>, vector<5120x128xf32>,
    return
  }
}

module attributes {stable_mosaic.version = 14 : i64} {
  func.func @_node_relu_body(%arg0: memref<2x10112x128xf32, #tpu.memory_space<vmem>>, %arg1: memref<2x10112x128xf32, #tpu.memory_space<vmem>>, %arg2: memref<1x128xf32, #tpu.memory_space<vmem>>, %arg3: memref<10000x128xf32, #tpu.memory_space<vmem>>) attributes {dimension_semantics = [], scalar_prefetch = 0 : i64, scratch_operands = 0 : i64, tpu.core_type = #tpu.core_type<tc>} {
    %get3A = arith.constant 0 : index
    %get3A_0 = arith.constant 0 : index
    %get3A_1 = arith.constant 0 : index
    %get3A_2 = vector.load %arg0[%get3A, %get3A_0, %get3A_1] : memref<2x10112x128xf32, #tpu.memory_space<vmem>>, vector<1x10112x128xf32>
    %get3A_3 = vector.shape_cast %get3A_2 : vector<1x10112x128xf32> to vector<10112x128xf32>
    %get3A_4 = arith.constant 1 : index
    %get3A_5 = arith.constant 0 : index
    %get3A_6 = arith.constant 0 : index
    %get3A_7 = vector.load %arg0[%get3A_4, %get3A_5, %get3A_6] : memref<2x10112x128xf32, #tpu.memory_space<vmem>>, vector<1x10112x128xf32>
    %get3A_8 = vector.shape_cast %get3A_7 : vector<1x10112x128xf32> to vector<10112x128xf32>
    %add3A = arith.addf %get3A_3, %get3A_8 : vector<10112x128xf32>
    %get3A_9 = arith.constant 0 : index
    %get3A_10 = arith.constant 0 : index
    %get3A_11 = arith.constant 0 : index
    %get3A_12 = vector.load %arg1[%get3A_9, %get3A_10, %get3A_11] : memref<2x10112x128xf32, #tpu.memory_space<vmem>>, vector<1x10112x1xf32>
    %get3A_13 = vector.shape_cast %get3A_12 : vector<1x10112x1xf32> to vector<10112x1xf32>
    %get3A_14 = arith.constant 1 : index
    %get3A_15 = arith.constant 0 : index
    %get3A_16 = arith.constant 0 : index
    %get3A_17 = vector.load %arg1[%get3A_14, %get3A_15, %get3A_16] : memref<2x10112x128xf32, #tpu.memory_space<vmem>>, vector<1x10112x1xf32>
    %get3A_18 = vector.shape_cast %get3A_17 : vector<1x10112x1xf32> to vector<10112x1xf32>
    %add3A_19 = arith.addf %get3A_13, %get3A_18 : vector<10112x1xf32>
    %max3A = arith.constant 1.000000e+00 : f32
    %max3A_20 = vector.broadcast %max3A : f32 to vector<10112x1xf32>
    %max3A_21 = arith.maximumf %add3A_19, %max3A_20 : vector<10112x1xf32>
    %div3A = vector.broadcast %max3A_21 : vector<10112x1xf32> to vector<10112x128xf32>
    %div3A_22 = arith.divf %add3A, %div3A : vector<10112x128xf32>
    %get3A_23 = arith.constant 0 : index
    %get3A_24 = arith.constant 0 : index
    %get3A_25 = vector.load %arg2[%get3A_23, %get3A_24] : memref<1x128xf32, #tpu.memory_space<vmem>>, vector<1x128xf32>
    %add3A_26 = vector.broadcast %get3A_25 : vector<1x128xf32> to vector<10112x128xf32>
    %add3A_27 = arith.addf %div3A_22, %add3A_26 : vector<10112x128xf32>
    %max3A_28 = arith.constant 0.000000e+00 : f32
    %max3A_29 = vector.broadcast %max3A_28 : f32 to vector<10112x128xf32>
    %max3A_30 = arith.maximumf %add3A_27, %max3A_29 : vector<10112x128xf32>
    %slice3A = vector.extract_strided_slice %max3A_30 {offsets = [0, 0], sizes = [10000, 128], strides = [1, 1]} : vector<10112x128xf32> to vector<10000x128xf32>
    %swap3A = arith.constant 0 : index
    %swap3A_31 = arith.constant 0 : index
    %swap3A_32 = vector.load %arg3[%swap3A, %swap3A_31] : memref<10000x128xf32, #tpu.memory_space<vmem>>, vector<10000x128xf32>
    tpu.vector_store %arg3[%swap3A, %swap3A_31], %slice3A {strides = array<i32>} : memref<10000x128xf32, #tpu.memory_space<vmem>>, vector<10000x128xf32>,
    return
  }
}

module attributes {stable_mosaic.version = 14 : i64} {
  func.func @_node_body(%arg0: memref<2x10112x128xf32, #tpu.memory_space<vmem>>, %arg1: memref<2x10112x128xf32, #tpu.memory_space<vmem>>, %arg2: memref<1x128xf32, #tpu.memory_space<vmem>>, %arg3: memref<10000x128xf32, #tpu.memory_space<vmem>>) attributes {dimension_semantics = [], scalar_prefetch = 0 : i64, scratch_operands = 0 : i64, tpu.core_type = #tpu.core_type<tc>} {
    %get3A = arith.constant 0 : index
    %get3A_0 = arith.constant 0 : index
    %get3A_1 = arith.constant 0 : index
    %get3A_2 = vector.load %arg0[%get3A, %get3A_0, %get3A_1] : memref<2x10112x128xf32, #tpu.memory_space<vmem>>, vector<1x10112x128xf32>
    %get3A_3 = vector.shape_cast %get3A_2 : vector<1x10112x128xf32> to vector<10112x128xf32>
    %get3A_4 = arith.constant 1 : index
    %get3A_5 = arith.constant 0 : index
    %get3A_6 = arith.constant 0 : index
    %get3A_7 = vector.load %arg0[%get3A_4, %get3A_5, %get3A_6] : memref<2x10112x128xf32, #tpu.memory_space<vmem>>, vector<1x10112x128xf32>
    %get3A_8 = vector.shape_cast %get3A_7 : vector<1x10112x128xf32> to vector<10112x128xf32>
    %add3A = arith.addf %get3A_3, %get3A_8 : vector<10112x128xf32>
    %get3A_9 = arith.constant 0 : index
    %get3A_10 = arith.constant 0 : index
    %get3A_11 = arith.constant 0 : index
    %get3A_12 = vector.load %arg1[%get3A_9, %get3A_10, %get3A_11] : memref<2x10112x128xf32, #tpu.memory_space<vmem>>, vector<1x10112x1xf32>
    %get3A_13 = vector.shape_cast %get3A_12 : vector<1x10112x1xf32> to vector<10112x1xf32>
    %get3A_14 = arith.constant 1 : index
    %get3A_15 = arith.constant 0 : index
    %get3A_16 = arith.constant 0 : index
    %get3A_17 = vector.load %arg1[%get3A_14, %get3A_15, %get3A_16] : memref<2x10112x128xf32, #tpu.memory_space<vmem>>, vector<1x10112x1xf32>
    %get3A_18 = vector.shape_cast %get3A_17 : vector<1x10112x1xf32> to vector<10112x1xf32>
    %add3A_19 = arith.addf %get3A_13, %get3A_18 : vector<10112x1xf32>
    %max3A = arith.constant 1.000000e+00 : f32
    %max3A_20 = vector.broadcast %max3A : f32 to vector<10112x1xf32>
    %max3A_21 = arith.maximumf %add3A_19, %max3A_20 : vector<10112x1xf32>
    %div3A = vector.broadcast %max3A_21 : vector<10112x1xf32> to vector<10112x128xf32>
    %div3A_22 = arith.divf %add3A, %div3A : vector<10112x128xf32>
    %get3A_23 = arith.constant 0 : index
    %get3A_24 = arith.constant 0 : index
    %get3A_25 = vector.load %arg2[%get3A_23, %get3A_24] : memref<1x128xf32, #tpu.memory_space<vmem>>, vector<1x128xf32>
    %add3A_26 = vector.broadcast %get3A_25 : vector<1x128xf32> to vector<10112x128xf32>
    %add3A_27 = arith.addf %div3A_22, %add3A_26 : vector<10112x128xf32>
    %slice3A = vector.extract_strided_slice %add3A_27 {offsets = [0, 0], sizes = [10000, 128], strides = [1, 1]} : vector<10112x128xf32> to vector<10000x128xf32>
    %swap3A = arith.constant 0 : index
    %swap3A_28 = arith.constant 0 : index
    %swap3A_29 = vector.load %arg3[%swap3A, %swap3A_28] : memref<10000x128xf32, #tpu.memory_space<vmem>>, vector<10000x128xf32>
    tpu.vector_store %arg3[%swap3A, %swap3A_28], %slice3A {strides = array<i32>} : memref<10000x128xf32, #tpu.memory_space<vmem>>, vector<10000x128xf32>,
    return
  }
}

</mosaic_0001>

<sc_bundles>
// kernel: kernel.12.cloned.1.call-start
scs
__scs_entry_jumppad:
0x0: {  	(pc) =	sbr.rel $0x88, $3  }
0x1: {  	(tag) =	ssettag $0x0;
	lr =	simm.s32 $0x1  }
0x2: {  	[smem:$0x3F97] =	sst lr;
	_ =	strace $0xD0000000  }
0x3: {  	_ = 	snop  }
0x4: {  	_ = 	snop  }
0x5: {  	_ = 	snop  }
0x6: {  	_ = 	snop  }
0x7: {  	_ = 	snop  }
__scs_overlays_trampoline_lowered:
0x8: {  	[smem:$0x3FA6] =	sst s0  }
0x9: {  	[smem:$0x3FA7] =	sst s1  }
0xa: {  	[smem:$0x3FA8] =	sst s2  }
0xb: {  	[smem:$0x3FA9] =	sst s3  }
0xc: {  	[smem:$0x3FAA] =	sst s4  }
0xd: {  	[smem:$0x3FAB] =	sst s5  }
0xe: {  	[smem:$0x3FAC] =	sst s6  }
0xf: {  	[smem:$0x3FAD] =	sst s7  }
0x10: {  	[smem:$0x3FAE] =	sst s8  }
0x11: {  	[smem:$0x3FAF] =	sst s9;
	s0 =	simm.s32 @!p0 $0x0  }
0x12: {  	s1 =	sld [smem:$0x3F95];
	s0 =	simm.s32 @p0 $0x1  }
0x13: {  	[smem:$0x3FB0] =	sst s0;
	s0 =	simm.s32 @!p1 $0x0  }
0x14: {  	s2 =	sld [smem:$0x3F94];
	s0 =	simm.s32 @p1 $0x1  }
0x15: {  	[smem:$0x3FB1] =	sst s0;
	s0 =	simm.s32 @!p2 $0x0  }
0x16: {  	s3 =	sld [smem:$0x3FDB];
	s0 =	simm.s32 @p2 $0x1  }
0x17: {  	s4 =	simm.s32 $0x1BF5;
	[smem:$0x3FB3] =	sst s0  }
0x18: {  	s0 =	sld [smem:$0x3F96];
	_ =	swait.ge [sflag:s4], $0x0  }
0x19: {  	s7 =	sld [smem:$0x3F97]  }
0x1a: {  	s8 =	sadd.s32 $0xFFFFE003, lr  }
0x1b: {  	s9 =	sadd.s32 $0xFFFFFEF7, lr;
	s5 =	simm.s32 $0xFFFFFFFF;
	p2 =	slt.u32 s8, $0xFFFFF086  }
0x1c: {  	p1 =	slt.u32 s9, $0xF7A;
	s5 =	simm.s32 @!p2 $0x0  }
0x1d: {  	s5 =	simm.s32 @p1 $0x1;
	p0 =	seq.s32 s7, s2  }
0x1e: {  	s7 =	smul.u32 @!p0 $0xF7A, s2;
	p2 =	seq.s32 @!p0 s5, $0x0  }
0x1f: {  	s9 =	smul.u32 $0xF7A, s1;
	s8 =	simm.s32 @!p0 $0x1BF5;
	p2 =	por !p2, p0  }
0x20: {  	[sflag:s8] =	ssyncset.s32 @!p0 $0xFFFFF086;
	s6 =	sadd.s32 @!p0 s3, s7;
	s7 =	simm.s32 @!p0 $0x108  }
0x21: {  	s3 =	sadd.s32 s3, s9;
	s6 =	sadd.s32 @!p0 $0x88, s6;
	s7 =	simm.s32 @p2 $0x1082  }
0x22: {  	[simem:s7], [sflag:s8] =	dma.local @!p0 [hbm:s6], $0xF7A  }
0x23: {  	s9 =	sor.u32 $0xD0000000, s2;
	s6 =	simm.s32 $0x108;
	_ =	swait.ge @!p0 [sflag:s8], $0x0  }
0x24: {  	s3 =	sadd.s32 $0x88, s3;
	s6 =	simm.s32 @!p1 $0x1082;
	[sflag:s4] =	ssyncset.s32 $0xFFFFF086  }
0x25: {  	[simem:s6], [sflag:s4] =	dma.local [hbm:s3], $0xF7A  }
0x26: {  	[smem:$0x3F97] =	sst s1;
	(tag) =	ssettag s2;
	_ =	strace s9  }
0x27: {  	s1 =	sld [smem:$0x3FA7]  }
0x28: {  	s2 =	sld [smem:$0x3FA8]  }
0x29: {  	s4 =	sld [smem:$0x3FAA]  }
0x2a: {  	p0 =	seq.s32 s5, $0x0;
	s5 =	sld [smem:$0x3FAB]  }
0x2b: {  	s6 =	sld [smem:$0x3FAC]  }
0x2c: {  	s7 =	sld [smem:$0x3FAD]  }
0x2d: {  	s3 =	simm.s32 $0x108;
	s8 =	sld [smem:$0x3FAE]  }
0x2e: {  	s3 =	simm.s32 @!p0 $0x1082;
	s9 =	sld [smem:$0x3FAF]  }
0x2f: {  	lr =	sadd.s32 s0, s3;
	s0 =	sld [smem:$0x3FA6]  }
0x30: {  	s3 =	sld [smem:$0x3FA9]  }
0x31: {  	[smem:$0x3FB2] =	sst s10  }
0x32: {  	s10 =	sld [smem:$0x3FB0];
	_ =	sdelay $0x3  }
0x33: {  	p0 =	seq.s32 s10, $0x1;
	s10 =	sld [smem:$0x3FB2];
	_ =	sdelay $0x3  }
0x34: {  	[smem:$0x3FB2] =	sst s10  }
0x35: {  	s10 =	sld [smem:$0x3FB1];
	_ =	sdelay $0x3  }
0x36: {  	p1 =	seq.s32 s10, $0x1;
	s10 =	sld [smem:$0x3FB2];
	_ =	sdelay $0x3  }
0x37: {  	[smem:$0x3FB2] =	sst s10  }
0x38: {  	s10 =	sld [smem:$0x3FB3]  }
0x39: {  	_ = 	snop;
	(pc) =	sbr.ind lr, $3  }
0x3a: {  	_ = 	snop  }
0x3b: {  	_ = 	snop  }
0x3c: {  	p2 =	seq.s32 s10, $0x1;
	s10 =	sld [smem:$0x3FB2]  }
0x3d: {  	_ =	shalt  }
0x3e: {  	_ =	shalt  }
0x3f: {  	_ =	shalt  }
0x40: {  	_ =	shalt  }
0x41: {  	_ =	shalt  }
0x42: {  	_ =	shalt  }
0x43: {  	_ =	shalt  }
0x44: {  	_ =	shalt  }
0x45: {  	_ =	shalt  }
0x46: {  	_ =	shalt  }
0x47: {  	_ =	shalt  }
0x48: {  	_ =	shalt  }
0x49: {  	_ =	shalt  }
0x4a: {  	_ =	shalt  }
0x4b: {  	_ =	shalt  }
0x4c: {  	_ =	shalt  }
0x4d: {  	_ =	shalt  }
0x4e: {  	_ =	shalt  }
0x4f: {  	_ =	shalt  }
0x50: {  	_ =	shalt  }
0x51: {  	_ =	shalt  }
0x52: {  	_ =	shalt  }
0x53: {  	_ =	shalt  }
0x54: {  	_ =	shalt  }
0x55: {  	_ =	shalt  }
0x56: {  	_ =	shalt  }
0x57: {  	_ =	shalt  }
0x58: {  	_ =	shalt  }
0x59: {  	_ =	shalt  }
0x5a: {  	_ =	shalt  }
0x5b: {  	_ =	shalt  }
0x5c: {  	_ =	shalt  }
0x5d: {  	_ =	shalt  }
0x5e: {  	_ =	shalt  }
0x5f: {  	_ =	shalt  }
0x60: {  	_ =	shalt  }
0x61: {  	_ =	shalt  }
0x62: {  	_ =	shalt  }
0x63: {  	_ =	shalt  }
0x64: {  	_ =	shalt  }
0x65: {  	_ =	shalt  }
0x66: {  	_ =	shalt  }
0x67: {  	_ =	shalt  }
0x68: {  	_ =	shalt  }
0x69: {  	_ =	shalt  }
0x6a: {  	_ =	shalt  }
0x6b: {  	_ =	shalt  }
0x6c: {  	_ =	shalt  }
0x6d: {  	_ =	shalt  }
0x6e: {  	_ =	shalt  }
0x6f: {  	_ =	shalt  }
0x70: {  	_ =	shalt  }
0x71: {  	_ =	shalt  }
0x72: {  	_ =	shalt  }
0x73: {  	_ =	shalt  }
0x74: {  	_ =	shalt  }
0x75: {  	_ =	shalt  }
0x76: {  	_ =	shalt  }
0x77: {  	_ =	shalt  }
0x78: {  	_ =	shalt  }
0x79: {  	_ =	shalt  }
0x7a: {  	_ =	shalt  }
0x7b: {  	_ =	shalt  }
0x7c: {  	_ =	shalt  }
0x7d: {  	_ =	shalt  }
0x7e: {  	_ =	shalt  }
0x7f: {  	_ =	shalt  }
0x80: {  	_ =	shalt  }
0x81: {  	_ =	shalt  }
0x82: {  	_ =	shalt  }
0x83: {  	_ =	shalt  }
0x84: {  	_ =	shalt  }
0x85: {  	_ =	shalt  }
0x86: {  	_ =	shalt  }
0x87: {  	_ =	shalt  }
.Lfunc_end0:
.L_simem_size_0:
called_computation_lowered:
.L_overlay_start_0:
0x88: {  	s2 =	sld [smem:$0x3FD9]  }
0x89: {  	s3 =	sld [smem:$0x3FFE];
	_ =	sdelay $0x1  }
0x8a: {  	s1 =	srdreg.scid  }
0x8b: {  	s0 =	sand.u32 $0x1, s1  }
0x8c: {  	s17 =	sshll.u32 s0, $0xA;
	s2 =	sadd.s32 s3, s2  }
0x8d: {  	s2 =	sadd.s32 s2, s17  }
0x8e: {  	[smem:$0x3FBE] =	sst s2  }
0x8f: {  	_ = 	snop  }
0x90: {  	(tm) =	ssettm $0x1  }
0x91: {  	s18 =	sld [smem:$0x3FFB];
	_ =	sdelay $0x3  }
0x92: {  	_ =	strace s18  }
0x93: {  	s2 =	sld [smem:$0x3FFC];
	_ =	sdelay $0x3  }
0x94: {  	_ =	strace s2  }
0x95: {  	s2 =	sld [smem:$0x3FFD];
	_ =	sdelay $0x3  }
0x96: {  	_ =	strace s2  }
0x97: {  	_ =	strace $0x8FFFFFFF  }
0x98: {  	s19 =	sld [smem:$0x3FDB];
	_ =	sdelay $0x1  }
0x99: {  	s20 =	simm.s32 $_scs_section_size  }
0x9a: {  	s4 =	simm.s32 $_size__tile_overlayer_lowered;
	s5 =	simm.s32 $_tile_overlayer_lowered  }
0x9b: {  	s6 =	simm.s32 $0x1BFF;
	s21 =	sshll.u32 s5, $0x1;
	s3 =	sadd.s32 s20, s19  }
0x9c: {  	s22 =	simm.s32 $0x0;
	s4 =	sshll.u32 s4, $0x1;
	s5 =	sadd.s32 s21, s3  }
0x9d: {  	[timem:s22], [sflag:s6] =	dma.local [hbm:s5], s4  }
0x9e: {  	_ =	swait.ge [sflag:s6], s4  }
0x9f: {  	s4 =	ssub.s32 $0x0, s4;
	[sflag:s6] =	ssyncset.done $0x0  }
0xa0: {  	[sflag:s6] =	ssyncadd.s32 s4;
	_ =	sdelay $0x1  }
0xa1: {  	s23 =	simm.s32 $0x1B8B  }
0xa2: {  	_ =	swait.ge [sflag:s23], $0x1  }
0xa3: {  	[sflag:s23] =	ssyncset.done $0x0  }
0xa4: {  	[sflag:s23] =	ssyncadd.s32 $0xFFFFFFFF  }
0xa5: {  	s4 =	sld [smem:$0x0]  }
0xa6: {  	s5 =	sand.u32 $0xFFFFFFFE, s1  }
0xa7: {  	p0 =	sne.s32 s1, s5  }
0xa8: {  	s5 =	sshll.u32 @p0 s5, $0xE  }
0xa9: {  	s5 =	sadd.s32 @p0 $0x11B8D, s5;
	s6 =	sshll.u32 @p0 s4, $0x11  }
0xaa: {  	s5 =	sor.u32 @p0 s6, s5  }
0xab: {  	[sflag:s5] =	ssyncadd.remote.s32 @p0 $0x1;
	_ =	sdelay $0x1  }
0xac: {  	s5 =	simm.s32 @p0 $0x1B8D  }
0xad: {  	_ =	swait.eq @p0 [sflag:s5], $0x1  }
0xae: {  	[sflag:s5] =	ssyncadd.s32 @p0 $0xFFFFFFFF  }
0xaf: {  	s6 =	sshll.u32 @!p0 s1, $0xE  }
0xb0: {  	s6 =	sor.u32 @!p0 $0x4000, s6;
	s5 =	simm.s32 @!p0 $0x1B8D  }
0xb1: {  	s4 =	sshll.u32 @!p0 s4, $0x11;
	s6 =	sadd.s32 @!p0 $0x11B8D, s6;
	_ =	swait.eq @!p0 [sflag:s5], $0x1  }
0xb2: {  	s4 =	sor.u32 @!p0 s4, s6;
	[sflag:s5] =	ssyncadd.s32 @!p0 $0xFFFFFFFF  }
0xb3: {  	s25 =	simm.s32 $0x1B8E;
	s24 =	sld [smem:$0x3FFE];
	[sflag:s4] =	ssyncadd.remote.s32 @!p0 $0x1  }
0xb4: {  	s26 =	simm.s32 $execute0_lowered;
	[smem:$0x3FD2] =	sst s25  }
0xb5: {  	s5 =	sshll.u32 s26, $0x1;
	_ =	strace $0x80000049;
	[dreg:$0x1] =	wrdreg $0xFFFFFFFF  }
0xb6: {  	s28 =	simm.s32 $_size_execute0_lowered;
	s3 =	sadd.s32 s3, s5;
	[dreg:$0x0] =	wrdreg $0x0  }
0xb7: {  	s5 =	sshll.u32 s28, $0x1;
	[dreg:$0x2] =	wrdreg s3  }
0xb8: {  	[dreg:$0x3] =	wrdreg s5  }
0xb9: {  	[dreg:$0x4] =	wrdreg $0xC0  }
0xba: {  	_ =	task [dreg:s22], $0x5FFFF  }
0xbb: {  	[dreg:$0x1] =	wrdreg $0xFFFFFFFF  }
0xbc: {  	[dreg:$0x0] =	wrdreg $0x60  }
0xbd: {  	[dreg:$0x2] =	wrdreg s24  }
0xbe: {  	[dreg:$0x3] =	wrdreg $0x68000  }
0xbf: {  	[dreg:$0x4] =	wrdreg $0xA  }
0xc0: {  	_ =	task.clear_ibuf [dreg:s22], $0x5FFFF;
	_ =	strace $0x90000049  }
0xc1: {  	s29 =	simm.s32 $0xA;
	_ =	strace $0x8000004B  }
0xc2: {  	_ =	swait.ge [sflag:s29], $0x1  }
0xc3: {  	[sflag:s29] =	ssyncadd.s32 $0xFFFFFFFF  }
0xc4: {  	_ =	strace $0x9000004B  }
0xc5: {  	_ =	sfence  }
0xc6: {  	s30 =	sld [smem:$0x0];
	_ =	sdelay $0x2  }
0xc7: {  	s31 =	sshll.u32 s1, $0xD;
	s1 =	sshrl.u32 s1, $0x2  }
0xc8: {  	s4 =	sand.u32 $0x4000, s31;
	s1 =	sadd.s32 s1, s30  }
0xc9: {  	s0 =	sor.u32 s4, s0;
	s1 =	sshll.u32 s1, $0x11  }
0xca: {  	s0 =	sor.u32 s1, s0  }
0xcb: {  	s0 =	sadd.s32 $0x8F2B, s0  }
0xcc: {  	[sflag:s0] =	ssyncadd.remote.s32 $0x1  }
0xcd: {  	_ =	sfence.sel $0xFFFF  }
0xce: {  	[dreg:$0x0] =	wrdreg $0xFFFFFFFF;
	(pc) =	sbr.abs _section_cstart, $3  }
0xcf: {  	[dreg:$0x1] =	wrdreg $0xFFFFFFFF  }
0xd0: {  	_ =	task.clear_ibuf [dreg:s22], $0x2FFFF;
	_ =	strace $0x9FFFFFFF  }
0xd1: {  	(tm) =	ssettm $0x7FFFFFFF  }
tec
execute0_lowered:
.L_overlay_start_1:
0x0: {  	(tag) =	ssettag $0x1  }
0x1: {  	s1 =	srdreg.scid  }
0x2: {  	s0 =	stileid.u32;
	s7 =	rddreg [dreg:$0x0]  }
0x3: {  	s2 =	rddreg [dreg:$0x1];
	s3 =	simm.s32 $0x0;
	s13 =	simm.s32 $0x80  }
0x4: {  	s14 =	simm.s32 $0x0;
	s6 =	sand.u32 $0x1, s1;
	s8 =	smul.u32 $0xA000, s0  }
0x5: {  	s30 =	sshll.u32 s0, $0x1;
	[smem:$0x7FF] =	sst s3;
	s10 =	smul.u32 $0x28000, s0  }
0x6: {  	s11 =	sshll.u32 s0, $0x6;
	s1 =	sor.u32 s6, s30;
	s5 =	smul.u32 $0xA0000, s6  }
0x7: {  	s6 =	ssub.s32 $0x2, s6;
	s11 =	sor.u32 $0x1C01, s11;
	s4 =	smul.u32 $0x500, s1  }
0x8: {  	s1 =	rddreg [dreg:$0x2];
	_ =	strace $0x8000004A;
	s31 =	sshrl.u32 s6, $0x1  }
0x9: {  	s10 =	sshrl.u32 s10, $0x2;
	s8 =	sadd.s32 s8, s5;
	s5 =	sadd.s32 $0x18600, s7  }
0xa: {  	s12 =	sadd.s32 s10, s2;
	s10 =	simm.s32 $0x2800;
	s9 =	sadd.s32 s4, s7  }
0xb: {  	s4 =	sadd.s32 $0x42E00, s7;
	s8 =	sshrl.u32 s8, $0x3;
	s12 =	sshrl.u32 s12, $0x3  }
0xc: {  	s7 =	sadd.s32 s8, s7;
	s8 =	ssub.s32 s6, s31;
	s6 =	sadd.s32 $0x4600, s9  }
0xd: {  	s9 =	simm.s32 $0x1;
	s7 =	sadd.s32 $0x43600, s7;
	s8 =	smax.u32 s8, $0x1  }
.LBB2_1:
0xe: {  	[tilespmem:s3], [sflag:$0x1] =	stream.linear.gather [hbm4b:s6+s3], $0x2780, $0x38;
	[tilespmem:$0x10800] =	vst v63  }
0xf: {  	_ =	swait.ge [sflag:s9], $0x2780  }
0x10: {  	[sflag:s9] =	ssyncset.done $0x0  }
0x11: {  	[sflag:s9] =	ssyncadd.s32 $0xFFFFD880  }
0x12: {  	[tilespmem:s10], [sflag:$0x1] =	stream.linear.gather [hbm4b:s4+s3], $0x4000, $0x38;
	[tilespmem:$0x10800] =	vst v63  }
0x13: {  	_ =	swait.ge [sflag:s9], $0x4000  }
0x14: {  	[sflag:s9] =	ssyncset.done $0x0  }
0x15: {  	[sflag:s9] =	ssyncadd.s32 $0xFFFFC000  }
0x16: {  	[spmem:s12], [sflag:s11] =	dma.local [hbm:s5], $0x1400  }
0x17: {  	_ =	swait.ge [sflag:s9], $0x1400  }
0x18: {  	[sflag:s9] =	ssyncset.done $0x0  }
0x19: {  	[sflag:s9] =	ssyncadd.s32 $0xFFFFEC00  }
0x1a: {  	s15 =	simm.s32 $0x0;
	[bflag:$0x0] =	sbarrier.arrive $0xFFFF  }
0x1b: {  	[spmem:s2] =	stream.indirect.scatter.add.f32 [tilespmem:s10], [sflag:$0x1], $0x80, s15, s13, $0xb8;
	[tilespmem:$0x10800] =	vst v63  }
0x1c: {  	_ =	swait.ge [sflag:s9], $0x4000  }
0x1d: {  	s15 =	simm.s32 $0x200;
	[sflag:s9] =	ssyncset.done $0x0  }
.LBB2_2:
0x1e: {  	s16 =	sshra.s32 s15, $0x2;
	[sflag:s9] =	ssyncadd.s32 $0xFFFFC000;
	p0 =	sne.s32 s15, $0x9C00  }
0x1f: {  	[spmem:s2] =	stream.indirect.scatter.add.f32 [tilespmem:s10], [sflag:$0x1], $0x80, s16, s13, $0xb8;
	[tilespmem:$0x10800] =	vst v63  }
.Ltmp0:
0x20: {  	_ = 	snop;
	(pc) =	sbr.rel @p0 .LBB2_2-.Ltmp0, $4  }
0x21: {  	_ = 	snop  }
0x22: {  	s15 =	sadd.s32 $0x200, s15  }
0x23: {  	_ =	swait.ge [sflag:s9], $0x4000  }
0x24: {  	[sflag:s9] =	ssyncset.done $0x0  }
0x25: {  	s14 =	sadd.s32 $0x1, s14  }
0x26: {  	[sflag:s9] =	ssyncadd.s32 $0xFFFFC000;
	p0 =	sne.s32 s14, s8  }
.Ltmp1:
0x27: {  	[bflag:$0x0] =	sbarrier.arrive $0xFFFF;
	(pc) =	sbr.rel @p0 .LBB2_1-.Ltmp1, $4  }
0x28: {  	[hbm:s7], [sflag:s11] =	dma.local [spmem:s12], $0x1400  }
0x29: {  	_ =	swait.ge [sflag:s9], $0x1400  }
0x2a: {  	[sflag:s9] =	ssyncset.done $0x0  }
0x2b: {  	[sflag:s9] =	ssyncadd.s32 $0xFFFFEC00  }
0x2c: {  	_ =	sfence.sel $0x180000  }
0x2d: {  	[bflag:$0x0] =	sbarrier.arrive $0xFFFF  }
0x2e: {  	p0 =	sne.s32 s0, $0x0;
	_ =	strace $0x9000004A  }
0x2f: {  	s0 =	sadd.s32 @!p0 $0x100000, s1;
	[bflag:$0x2] =	sbarrier.arrive $0xFFFF  }
0x30: {  	[sflag:s0] =	ssyncadd.tile.s32 @!p0 $0x1;
	_ =	shalt  }
.Lfunc_end2:
_tile_overlayer_lowered:
.L_overlay_start_2:
0x31: {  	(tag) =	ssettag $0x2  }
0x32: {  	s0 =	rddreg [dreg:$0x0];
	s2 =	stileid.u32  }
0x33: {  	s1 =	rddreg [dreg:$0x1];
	p0 =	sne.s32 s2, $0x0  }
0x34: {  	s3 =	rddreg [dreg:$0x2];
	[bflag:$0x3] =	sbarrier.arrive $0xFFFF;
	s2 =	simm.s32 @!p0 $0x1C01  }
0x35: {  	[timem:s3], [sflag:s2] =	dma.local @!p0 [hbm:s0], s1  }
0x36: {  	s0 =	simm.s32 @!p0 $0x1  }
0x37: {  	_ =	swait.ge @!p0 [sflag:s0], s1  }
0x38: {  	s1 =	ssub.s32 @!p0 $0x0, s1;
	[sflag:s0] =	ssyncset.done @!p0 $0x0  }
0x39: {  	[sflag:s0] =	ssyncadd.s32 @!p0 s1  }
0x3a: {  	[bflag:$0x3] =	sbarrier.arrive $0xFFFF  }
0x3b: {  	_ =	shalt  }

// kernel: kernel.15.cloned.1.call-start
scs
__scs_entry_jumppad:
0x0: {  	(pc) =	sbr.rel $0x88, $3  }
0x1: {  	(tag) =	ssettag $0x0;
	lr =	simm.s32 $0x1  }
0x2: {  	[smem:$0x3F97] =	sst lr;
	_ =	strace $0xD0000000  }
0x3: {  	_ = 	snop  }
0x4: {  	_ = 	snop  }
0x5: {  	_ = 	snop  }
0x6: {  	_ = 	snop  }
0x7: {  	_ = 	snop  }
__scs_overlays_trampoline_lowered:
0x8: {  	[smem:$0x3FA6] =	sst s0  }
0x9: {  	[smem:$0x3FA7] =	sst s1  }
0xa: {  	[smem:$0x3FA8] =	sst s2  }
0xb: {  	[smem:$0x3FA9] =	sst s3  }
0xc: {  	[smem:$0x3FAA] =	sst s4  }
0xd: {  	[smem:$0x3FAB] =	sst s5  }
0xe: {  	[smem:$0x3FAC] =	sst s6  }
0xf: {  	[smem:$0x3FAD] =	sst s7  }
0x10: {  	[smem:$0x3FAE] =	sst s8  }
0x11: {  	[smem:$0x3FAF] =	sst s9;
	s0 =	simm.s32 @!p0 $0x0  }
0x12: {  	s1 =	sld [smem:$0x3F95];
	s0 =	simm.s32 @p0 $0x1  }
0x13: {  	[smem:$0x3FB0] =	sst s0;
	s0 =	simm.s32 @!p1 $0x0  }
0x14: {  	s2 =	sld [smem:$0x3F94];
	s0 =	simm.s32 @p1 $0x1  }
0x15: {  	[smem:$0x3FB1] =	sst s0;
	s0 =	simm.s32 @!p2 $0x0  }
0x16: {  	s3 =	sld [smem:$0x3FDB];
	s0 =	simm.s32 @p2 $0x1  }
0x17: {  	s4 =	simm.s32 $0x1BF5;
	[smem:$0x3FB3] =	sst s0  }
0x18: {  	s0 =	sld [smem:$0x3F96];
	_ =	swait.ge [sflag:s4], $0x0  }
0x19: {  	s7 =	sld [smem:$0x3F97]  }
0x1a: {  	s8 =	sadd.s32 $0xFFFFE003, lr  }
0x1b: {  	s9 =	sadd.s32 $0xFFFFFEF7, lr;
	s5 =	simm.s32 $0xFFFFFFFF;
	p2 =	slt.u32 s8, $0xFFFFF086  }
0x1c: {  	p1 =	slt.u32 s9, $0xF7A;
	s5 =	simm.s32 @!p2 $0x0  }
0x1d: {  	s5 =	simm.s32 @p1 $0x1;
	p0 =	seq.s32 s7, s2  }
0x1e: {  	s7 =	smul.u32 @!p0 $0xF7A, s2;
	p2 =	seq.s32 @!p0 s5, $0x0  }
0x1f: {  	s9 =	smul.u32 $0xF7A, s1;
	s8 =	simm.s32 @!p0 $0x1BF5;
	p2 =	por !p2, p0  }
0x20: {  	[sflag:s8] =	ssyncset.s32 @!p0 $0xFFFFF086;
	s6 =	sadd.s32 @!p0 s3, s7;
	s7 =	simm.s32 @!p0 $0x108  }
0x21: {  	s3 =	sadd.s32 s3, s9;
	s6 =	sadd.s32 @!p0 $0x88, s6;
	s7 =	simm.s32 @p2 $0x1082  }
0x22: {  	[simem:s7], [sflag:s8] =	dma.local @!p0 [hbm:s6], $0xF7A  }
0x23: {  	s9 =	sor.u32 $0xD0000000, s2;
	s6 =	simm.s32 $0x108;
	_ =	swait.ge @!p0 [sflag:s8], $0x0  }
0x24: {  	s3 =	sadd.s32 $0x88, s3;
	s6 =	simm.s32 @!p1 $0x1082;
	[sflag:s4] =	ssyncset.s32 $0xFFFFF086  }
0x25: {  	[simem:s6], [sflag:s4] =	dma.local [hbm:s3], $0xF7A  }
0x26: {  	[smem:$0x3F97] =	sst s1;
	(tag) =	ssettag s2;
	_ =	strace s9  }
0x27: {  	s1 =	sld [smem:$0x3FA7]  }
0x28: {  	s2 =	sld [smem:$0x3FA8]  }
0x29: {  	s4 =	sld [smem:$0x3FAA]  }
0x2a: {  	p0 =	seq.s32 s5, $0x0;
	s5 =	sld [smem:$0x3FAB]  }
0x2b: {  	s6 =	sld [smem:$0x3FAC]  }
0x2c: {  	s7 =	sld [smem:$0x3FAD]  }
0x2d: {  	s3 =	simm.s32 $0x108;
	s8 =	sld [smem:$0x3FAE]  }
0x2e: {  	s3 =	simm.s32 @!p0 $0x1082;
	s9 =	sld [smem:$0x3FAF]  }
0x2f: {  	lr =	sadd.s32 s0, s3;
	s0 =	sld [smem:$0x3FA6]  }
0x30: {  	s3 =	sld [smem:$0x3FA9]  }
0x31: {  	[smem:$0x3FB2] =	sst s10  }
0x32: {  	s10 =	sld [smem:$0x3FB0];
	_ =	sdelay $0x3  }
0x33: {  	p0 =	seq.s32 s10, $0x1;
	s10 =	sld [smem:$0x3FB2];
	_ =	sdelay $0x3  }
0x34: {  	[smem:$0x3FB2] =	sst s10  }
0x35: {  	s10 =	sld [smem:$0x3FB1];
	_ =	sdelay $0x3  }
0x36: {  	p1 =	seq.s32 s10, $0x1;
	s10 =	sld [smem:$0x3FB2];
	_ =	sdelay $0x3  }
0x37: {  	[smem:$0x3FB2] =	sst s10  }
0x38: {  	s10 =	sld [smem:$0x3FB3]  }
0x39: {  	_ = 	snop;
	(pc) =	sbr.ind lr, $3  }
0x3a: {  	_ = 	snop  }
0x3b: {  	_ = 	snop  }
0x3c: {  	p2 =	seq.s32 s10, $0x1;
	s10 =	sld [smem:$0x3FB2]  }
0x3d: {  	_ =	shalt  }
0x3e: {  	_ =	shalt  }
0x3f: {  	_ =	shalt  }
0x40: {  	_ =	shalt  }
0x41: {  	_ =	shalt  }
0x42: {  	_ =	shalt  }
0x43: {  	_ =	shalt  }
0x44: {  	_ =	shalt  }
0x45: {  	_ =	shalt  }
0x46: {  	_ =	shalt  }
0x47: {  	_ =	shalt  }
0x48: {  	_ =	shalt  }
0x49: {  	_ =	shalt  }
0x4a: {  	_ =	shalt  }
0x4b: {  	_ =	shalt  }
0x4c: {  	_ =	shalt  }
0x4d: {  	_ =	shalt  }
0x4e: {  	_ =	shalt  }
0x4f: {  	_ =	shalt  }
0x50: {  	_ =	shalt  }
0x51: {  	_ =	shalt  }
0x52: {  	_ =	shalt  }
0x53: {  	_ =	shalt  }
0x54: {  	_ =	shalt  }
0x55: {  	_ =	shalt  }
0x56: {  	_ =	shalt  }
0x57: {  	_ =	shalt  }
0x58: {  	_ =	shalt  }
0x59: {  	_ =	shalt  }
0x5a: {  	_ =	shalt  }
0x5b: {  	_ =	shalt  }
0x5c: {  	_ =	shalt  }
0x5d: {  	_ =	shalt  }
0x5e: {  	_ =	shalt  }
0x5f: {  	_ =	shalt  }
0x60: {  	_ =	shalt  }
0x61: {  	_ =	shalt  }
0x62: {  	_ =	shalt  }
0x63: {  	_ =	shalt  }
0x64: {  	_ =	shalt  }
0x65: {  	_ =	shalt  }
0x66: {  	_ =	shalt  }
0x67: {  	_ =	shalt  }
0x68: {  	_ =	shalt  }
0x69: {  	_ =	shalt  }
0x6a: {  	_ =	shalt  }
0x6b: {  	_ =	shalt  }
0x6c: {  	_ =	shalt  }
0x6d: {  	_ =	shalt  }
0x6e: {  	_ =	shalt  }
0x6f: {  	_ =	shalt  }
0x70: {  	_ =	shalt  }
0x71: {  	_ =	shalt  }
0x72: {  	_ =	shalt  }
0x73: {  	_ =	shalt  }
0x74: {  	_ =	shalt  }
0x75: {  	_ =	shalt  }
0x76: {  	_ =	shalt  }
0x77: {  	_ =	shalt  }
0x78: {  	_ =	shalt  }
0x79: {  	_ =	shalt  }
0x7a: {  	_ =	shalt  }
0x7b: {  	_ =	shalt  }
0x7c: {  	_ =	shalt  }
0x7d: {  	_ =	shalt  }
0x7e: {  	_ =	shalt  }
0x7f: {  	_ =	shalt  }
0x80: {  	_ =	shalt  }
0x81: {  	_ =	shalt  }
0x82: {  	_ =	shalt  }
0x83: {  	_ =	shalt  }
0x84: {  	_ =	shalt  }
0x85: {  	_ =	shalt  }
0x86: {  	_ =	shalt  }
0x87: {  	_ =	shalt  }
.Lfunc_end0:
.L_simem_size_0:
called_computation.1_lowered:
.L_overlay_start_0:
0x88: {  	s2 =	sld [smem:$0x3FD9]  }
0x89: {  	s3 =	sld [smem:$0x3FFE];
	_ =	sdelay $0x1  }
0x8a: {  	s1 =	srdreg.scid  }
0x8b: {  	s0 =	sand.u32 $0x1, s1  }
0x8c: {  	s17 =	sshll.u32 s0, $0xA;
	s2 =	sadd.s32 s3, s2  }
0x8d: {  	s2 =	sadd.s32 s2, s17  }
0x8e: {  	[smem:$0x3FBE] =	sst s2  }
0x8f: {  	_ = 	snop  }
0x90: {  	(tm) =	ssettm $0x1  }
0x91: {  	s18 =	sld [smem:$0x3FFB];
	_ =	sdelay $0x3  }
0x92: {  	_ =	strace s18  }
0x93: {  	s2 =	sld [smem:$0x3FFC];
	_ =	sdelay $0x3  }
0x94: {  	_ =	strace s2  }
0x95: {  	s2 =	sld [smem:$0x3FFD];
	_ =	sdelay $0x3  }
0x96: {  	_ =	strace s2  }
0x97: {  	_ =	strace $0x8FFFFFFF  }
0x98: {  	s19 =	sld [smem:$0x3FDB];
	_ =	sdelay $0x1  }
0x99: {  	s20 =	simm.s32 $_scs_section_size  }
0x9a: {  	s4 =	simm.s32 $_size__tile_overlayer_lowered;
	s5 =	simm.s32 $_tile_overlayer_lowered  }
0x9b: {  	s6 =	simm.s32 $0x1BFF;
	s21 =	sshll.u32 s5, $0x1;
	s3 =	sadd.s32 s20, s19  }
0x9c: {  	s22 =	simm.s32 $0x0;
	s4 =	sshll.u32 s4, $0x1;
	s5 =	sadd.s32 s21, s3  }
0x9d: {  	[timem:s22], [sflag:s6] =	dma.local [hbm:s5], s4  }
0x9e: {  	_ =	swait.ge [sflag:s6], s4  }
0x9f: {  	s4 =	ssub.s32 $0x0, s4;
	[sflag:s6] =	ssyncset.done $0x0  }
0xa0: {  	[sflag:s6] =	ssyncadd.s32 s4;
	_ =	sdelay $0x1  }
0xa1: {  	s23 =	simm.s32 $0x1B8B  }
0xa2: {  	_ =	swait.ge [sflag:s23], $0x1  }
0xa3: {  	[sflag:s23] =	ssyncset.done $0x0  }
0xa4: {  	[sflag:s23] =	ssyncadd.s32 $0xFFFFFFFF  }
0xa5: {  	s4 =	sld [smem:$0x0]  }
0xa6: {  	s5 =	sand.u32 $0xFFFFFFFE, s1  }
0xa7: {  	p0 =	sne.s32 s1, s5  }
0xa8: {  	s5 =	sshll.u32 @p0 s5, $0xE  }
0xa9: {  	s5 =	sadd.s32 @p0 $0x11B8D, s5;
	s6 =	sshll.u32 @p0 s4, $0x11  }
0xaa: {  	s5 =	sor.u32 @p0 s6, s5  }
0xab: {  	[sflag:s5] =	ssyncadd.remote.s32 @p0 $0x1;
	_ =	sdelay $0x1  }
0xac: {  	s5 =	simm.s32 @p0 $0x1B8D  }
0xad: {  	_ =	swait.eq @p0 [sflag:s5], $0x1  }
0xae: {  	[sflag:s5] =	ssyncadd.s32 @p0 $0xFFFFFFFF  }
0xaf: {  	s6 =	sshll.u32 @!p0 s1, $0xE  }
0xb0: {  	s6 =	sor.u32 @!p0 $0x4000, s6;
	s5 =	simm.s32 @!p0 $0x1B8D  }
0xb1: {  	s4 =	sshll.u32 @!p0 s4, $0x11;
	s6 =	sadd.s32 @!p0 $0x11B8D, s6;
	_ =	swait.eq @!p0 [sflag:s5], $0x1  }
0xb2: {  	s4 =	sor.u32 @!p0 s4, s6;
	[sflag:s5] =	ssyncadd.s32 @!p0 $0xFFFFFFFF  }
0xb3: {  	s25 =	simm.s32 $0x1B8E;
	s24 =	sld [smem:$0x3FFE];
	[sflag:s4] =	ssyncadd.remote.s32 @!p0 $0x1  }
0xb4: {  	s26 =	simm.s32 $execute0_lowered;
	[smem:$0x3FD2] =	sst s25  }
0xb5: {  	s5 =	sshll.u32 s26, $0x1;
	_ =	strace $0x8000004C;
	[dreg:$0x1] =	wrdreg $0xFFFFFFFF  }
0xb6: {  	s28 =	simm.s32 $_size_execute0_lowered;
	s3 =	sadd.s32 s3, s5;
	[dreg:$0x0] =	wrdreg $0x0  }
0xb7: {  	s5 =	sshll.u32 s28, $0x1;
	[dreg:$0x2] =	wrdreg s3  }
0xb8: {  	[dreg:$0x3] =	wrdreg s5  }
0xb9: {  	[dreg:$0x4] =	wrdreg $0xC0  }
0xba: {  	_ =	task [dreg:s22], $0x5FFFF  }
0xbb: {  	[dreg:$0x1] =	wrdreg $0xFFFFFFFF  }
0xbc: {  	[dreg:$0x0] =	wrdreg $0x60  }
0xbd: {  	[dreg:$0x2] =	wrdreg s24  }
0xbe: {  	[dreg:$0x3] =	wrdreg $0x68000  }
0xbf: {  	[dreg:$0x4] =	wrdreg $0x9  }
0xc0: {  	_ =	task.clear_ibuf [dreg:s22], $0x5FFFF;
	_ =	strace $0x9000004C  }
0xc1: {  	s29 =	simm.s32 $0x9;
	_ =	strace $0x8000004E  }
0xc2: {  	_ =	swait.ge [sflag:s29], $0x1  }
0xc3: {  	[sflag:s29] =	ssyncadd.s32 $0xFFFFFFFF  }
0xc4: {  	_ =	strace $0x9000004E  }
0xc5: {  	_ =	sfence  }
0xc6: {  	s30 =	sld [smem:$0x0];
	_ =	sdelay $0x2  }
0xc7: {  	s31 =	sshll.u32 s1, $0xD;
	s1 =	sshrl.u32 s1, $0x2  }
0xc8: {  	s4 =	sand.u32 $0x4000, s31;
	s1 =	sadd.s32 s1, s30  }
0xc9: {  	s0 =	sor.u32 s4, s0;
	s1 =	sshll.u32 s1, $0x11  }
0xca: {  	s0 =	sor.u32 s1, s0  }
0xcb: {  	s0 =	sadd.s32 $0x8F2B, s0  }
0xcc: {  	[sflag:s0] =	ssyncadd.remote.s32 $0x1  }
0xcd: {  	_ =	sfence.sel $0xFFFF  }
0xce: {  	[dreg:$0x0] =	wrdreg $0xFFFFFFFF;
	(pc) =	sbr.abs _section_cstart, $3  }
0xcf: {  	[dreg:$0x1] =	wrdreg $0xFFFFFFFF  }
0xd0: {  	_ =	task.clear_ibuf [dreg:s22], $0x2FFFF;
	_ =	strace $0x9FFFFFFF  }
0xd1: {  	(tm) =	ssettm $0x7FFFFFFF  }
tec
execute0_lowered:
.L_overlay_start_1:
0x0: {  	(tag) =	ssettag $0x1  }
0x1: {  	s1 =	srdreg.scid  }
0x2: {  	s0 =	stileid.u32;
	s7 =	rddreg [dreg:$0x0]  }
0x3: {  	s2 =	rddreg [dreg:$0x1];
	s3 =	simm.s32 $0x0;
	s13 =	simm.s32 $0x80  }
0x4: {  	s14 =	simm.s32 $0x0;
	s6 =	sand.u32 $0x1, s1;
	s8 =	smul.u32 $0x13C00, s0  }
0x5: {  	s30 =	sshll.u32 s0, $0x1;
	[smem:$0x7FF] =	sst s3;
	s10 =	smul.u32 $0x4F000, s0  }
0x6: {  	s11 =	sshll.u32 s0, $0x6;
	s1 =	sor.u32 s6, s30;
	s5 =	smul.u32 $0x13C000, s6  }
0x7: {  	s6 =	ssub.s32 $0x2, s6;
	s11 =	sor.u32 $0x1C01, s11;
	s4 =	smul.u32 $0x500, s1  }
0x8: {  	s1 =	rddreg [dreg:$0x2];
	_ =	strace $0x8000004D;
	s31 =	sshrl.u32 s6, $0x1  }
0x9: {  	s10 =	sshrl.u32 s10, $0x2;
	s8 =	sadd.s32 s8, s5;
	s5 =	sadd.s32 $0x18600, s7  }
0xa: {  	s12 =	sadd.s32 s10, s2;
	s10 =	simm.s32 $0x2800;
	s9 =	sadd.s32 s4, s7  }
0xb: {  	s4 =	sadd.s32 $0x42E00, s7;
	s8 =	sshrl.u32 s8, $0x3;
	s12 =	sshrl.u32 s12, $0x3  }
0xc: {  	s7 =	sadd.s32 s8, s7;
	s8 =	ssub.s32 s6, s31;
	s6 =	sadd.s32 $0x6B600, s9  }
0xd: {  	s9 =	simm.s32 $0x1;
	s7 =	sadd.s32 $0x75600, s7;
	s8 =	smax.u32 s8, $0x1  }
.LBB2_1:
0xe: {  	[tilespmem:s3], [sflag:$0x1] =	stream.linear.gather [hbm4b:s6+s3], $0x2780, $0x38;
	[tilespmem:$0x1A400] =	vst v63  }
0xf: {  	_ =	swait.ge [sflag:s9], $0x2780  }
0x10: {  	[sflag:s9] =	ssyncset.done $0x0  }
0x11: {  	[sflag:s9] =	ssyncadd.s32 $0xFFFFD880  }
0x12: {  	[tilespmem:s10], [sflag:$0x1] =	stream.linear.gather [hbm4b:s4+s3], $0x4000, $0x38;
	[tilespmem:$0x1A400] =	vst v63  }
0x13: {  	_ =	swait.ge [sflag:s9], $0x4000  }
0x14: {  	[sflag:s9] =	ssyncset.done $0x0  }
0x15: {  	[sflag:s9] =	ssyncadd.s32 $0xFFFFC000  }
0x16: {  	[spmem:s12], [sflag:s11] =	dma.local [hbm:s5], $0x2780  }
0x17: {  	_ =	swait.ge [sflag:s9], $0x2780  }
0x18: {  	[sflag:s9] =	ssyncset.done $0x0  }
0x19: {  	[sflag:s9] =	ssyncadd.s32 $0xFFFFD880  }
0x1a: {  	s15 =	simm.s32 $0x0;
	[bflag:$0x0] =	sbarrier.arrive $0xFFFF  }
0x1b: {  	[spmem:s2] =	stream.indirect.scatter.add.f32 [tilespmem:s10], [sflag:$0x1], $0x80, s15, s13, $0xb8;
	[tilespmem:$0x1A400] =	vst v63  }
0x1c: {  	_ =	swait.ge [sflag:s9], $0x4000  }
0x1d: {  	s15 =	simm.s32 $0x200;
	[sflag:s9] =	ssyncset.done $0x0  }
.LBB2_2:
0x1e: {  	s16 =	sshra.s32 s15, $0x2;
	[sflag:s9] =	ssyncadd.s32 $0xFFFFC000;
	p0 =	sne.s32 s15, $0x9C00  }
0x1f: {  	[spmem:s2] =	stream.indirect.scatter.add.f32 [tilespmem:s10], [sflag:$0x1], $0x80, s16, s13, $0xb8;
	[tilespmem:$0x1A400] =	vst v63  }
.Ltmp0:
0x20: {  	_ = 	snop;
	(pc) =	sbr.rel @p0 .LBB2_2-.Ltmp0, $4  }
0x21: {  	_ = 	snop  }
0x22: {  	s15 =	sadd.s32 $0x200, s15  }
0x23: {  	_ =	swait.ge [sflag:s9], $0x4000  }
0x24: {  	[sflag:s9] =	ssyncset.done $0x0  }
0x25: {  	s14 =	sadd.s32 $0x1, s14  }
0x26: {  	[sflag:s9] =	ssyncadd.s32 $0xFFFFC000;
	p0 =	sne.s32 s14, s8  }
.Ltmp1:
0x27: {  	[bflag:$0x0] =	sbarrier.arrive $0xFFFF;
	(pc) =	sbr.rel @p0 .LBB2_1-.Ltmp1, $4  }
0x28: {  	[hbm:s7], [sflag:s11] =	dma.local [spmem:s12], $0x2780  }
0x29: {  	_ =	swait.ge [sflag:s9], $0x2780  }
0x2a: {  	[sflag:s9] =	ssyncset.done $0x0  }
0x2b: {  	[sflag:s9] =	ssyncadd.s32 $0xFFFFD880  }
0x2c: {  	_ =	sfence.sel $0x180000  }
0x2d: {  	[bflag:$0x0] =	sbarrier.arrive $0xFFFF  }
0x2e: {  	p0 =	sne.s32 s0, $0x0;
	_ =	strace $0x9000004D  }
0x2f: {  	s0 =	sadd.s32 @!p0 $0x100000, s1;
	[bflag:$0x2] =	sbarrier.arrive $0xFFFF  }
0x30: {  	[sflag:s0] =	ssyncadd.tile.s32 @!p0 $0x1;
	_ =	shalt  }
.Lfunc_end2:
_tile_overlayer_lowered:
.L_overlay_start_2:
0x31: {  	(tag) =	ssettag $0x2  }
0x32: {  	s0 =	rddreg [dreg:$0x0];
	s2 =	stileid.u32  }
0x33: {  	s1 =	rddreg [dreg:$0x1];
	p0 =	sne.s32 s2, $0x0  }
0x34: {  	s3 =	rddreg [dreg:$0x2];
	[bflag:$0x3] =	sbarrier.arrive $0xFFFF;
	s2 =	simm.s32 @!p0 $0x1C01  }
0x35: {  	[timem:s3], [sflag:s2] =	dma.local @!p0 [hbm:s0], s1  }
0x36: {  	s0 =	simm.s32 @!p0 $0x1  }
0x37: {  	_ =	swait.ge @!p0 [sflag:s0], s1  }
0x38: {  	s1 =	ssub.s32 @!p0 $0x0, s1;
	[sflag:s0] =	ssyncset.done @!p0 $0x0  }
0x39: {  	[sflag:s0] =	ssyncadd.s32 @!p0 s1  }
0x3a: {  	[bflag:$0x3] =	sbarrier.arrive $0xFFFF  }
0x3b: {  	_ =	shalt  }

// kernel: kernel.18.cloned.1.call-start
scs
__scs_entry_jumppad:
0x0: {  	(pc) =	sbr.rel $0x88, $3  }
0x1: {  	(tag) =	ssettag $0x0;
	lr =	simm.s32 $0x1  }
0x2: {  	[smem:$0x3F97] =	sst lr;
	_ =	strace $0xD0000000  }
0x3: {  	_ = 	snop  }
0x4: {  	_ = 	snop  }
0x5: {  	_ = 	snop  }
0x6: {  	_ = 	snop  }
0x7: {  	_ = 	snop  }
__scs_overlays_trampoline_lowered:
0x8: {  	[smem:$0x3FA6] =	sst s0  }
0x9: {  	[smem:$0x3FA7] =	sst s1  }
0xa: {  	[smem:$0x3FA8] =	sst s2  }
0xb: {  	[smem:$0x3FA9] =	sst s3  }
0xc: {  	[smem:$0x3FAA] =	sst s4  }
0xd: {  	[smem:$0x3FAB] =	sst s5  }
0xe: {  	[smem:$0x3FAC] =	sst s6  }
0xf: {  	[smem:$0x3FAD] =	sst s7  }
0x10: {  	[smem:$0x3FAE] =	sst s8  }
0x11: {  	[smem:$0x3FAF] =	sst s9;
	s0 =	simm.s32 @!p0 $0x0  }
0x12: {  	s1 =	sld [smem:$0x3F95];
	s0 =	simm.s32 @p0 $0x1  }
0x13: {  	[smem:$0x3FB0] =	sst s0;
	s0 =	simm.s32 @!p1 $0x0  }
0x14: {  	s2 =	sld [smem:$0x3F94];
	s0 =	simm.s32 @p1 $0x1  }
0x15: {  	[smem:$0x3FB1] =	sst s0;
	s0 =	simm.s32 @!p2 $0x0  }
0x16: {  	s3 =	sld [smem:$0x3FDB];
	s0 =	simm.s32 @p2 $0x1  }
0x17: {  	s4 =	simm.s32 $0x1BF5;
	[smem:$0x3FB3] =	sst s0  }
0x18: {  	s0 =	sld [smem:$0x3F96];
	_ =	swait.ge [sflag:s4], $0x0  }
0x19: {  	s7 =	sld [smem:$0x3F97]  }
0x1a: {  	s8 =	sadd.s32 $0xFFFFE003, lr  }
0x1b: {  	s9 =	sadd.s32 $0xFFFFFEF7, lr;
	s5 =	simm.s32 $0xFFFFFFFF;
	p2 =	slt.u32 s8, $0xFFFFF086  }
0x1c: {  	p1 =	slt.u32 s9, $0xF7A;
	s5 =	simm.s32 @!p2 $0x0  }
0x1d: {  	s5 =	simm.s32 @p1 $0x1;
	p0 =	seq.s32 s7, s2  }
0x1e: {  	s7 =	smul.u32 @!p0 $0xF7A, s2;
	p2 =	seq.s32 @!p0 s5, $0x0  }
0x1f: {  	s9 =	smul.u32 $0xF7A, s1;
	s8 =	simm.s32 @!p0 $0x1BF5;
	p2 =	por !p2, p0  }
0x20: {  	[sflag:s8] =	ssyncset.s32 @!p0 $0xFFFFF086;
	s6 =	sadd.s32 @!p0 s3, s7;
	s7 =	simm.s32 @!p0 $0x108  }
0x21: {  	s3 =	sadd.s32 s3, s9;
	s6 =	sadd.s32 @!p0 $0x88, s6;
	s7 =	simm.s32 @p2 $0x1082  }
0x22: {  	[simem:s7], [sflag:s8] =	dma.local @!p0 [hbm:s6], $0xF7A  }
0x23: {  	s9 =	sor.u32 $0xD0000000, s2;
	s6 =	simm.s32 $0x108;
	_ =	swait.ge @!p0 [sflag:s8], $0x0  }
0x24: {  	s3 =	sadd.s32 $0x88, s3;
	s6 =	simm.s32 @!p1 $0x1082;
	[sflag:s4] =	ssyncset.s32 $0xFFFFF086  }
0x25: {  	[simem:s6], [sflag:s4] =	dma.local [hbm:s3], $0xF7A  }
0x26: {  	[smem:$0x3F97] =	sst s1;
	(tag) =	ssettag s2;
	_ =	strace s9  }
0x27: {  	s1 =	sld [smem:$0x3FA7]  }
0x28: {  	s2 =	sld [smem:$0x3FA8]  }
0x29: {  	s4 =	sld [smem:$0x3FAA]  }
0x2a: {  	p0 =	seq.s32 s5, $0x0;
	s5 =	sld [smem:$0x3FAB]  }
0x2b: {  	s6 =	sld [smem:$0x3FAC]  }
0x2c: {  	s7 =	sld [smem:$0x3FAD]  }
0x2d: {  	s3 =	simm.s32 $0x108;
	s8 =	sld [smem:$0x3FAE]  }
0x2e: {  	s3 =	simm.s32 @!p0 $0x1082;
	s9 =	sld [smem:$0x3FAF]  }
0x2f: {  	lr =	sadd.s32 s0, s3;
	s0 =	sld [smem:$0x3FA6]  }
0x30: {  	s3 =	sld [smem:$0x3FA9]  }
0x31: {  	[smem:$0x3FB2] =	sst s10  }
0x32: {  	s10 =	sld [smem:$0x3FB0];
	_ =	sdelay $0x3  }
0x33: {  	p0 =	seq.s32 s10, $0x1;
	s10 =	sld [smem:$0x3FB2];
	_ =	sdelay $0x3  }
0x34: {  	[smem:$0x3FB2] =	sst s10  }
0x35: {  	s10 =	sld [smem:$0x3FB1];
	_ =	sdelay $0x3  }
0x36: {  	p1 =	seq.s32 s10, $0x1;
	s10 =	sld [smem:$0x3FB2];
	_ =	sdelay $0x3  }
0x37: {  	[smem:$0x3FB2] =	sst s10  }
0x38: {  	s10 =	sld [smem:$0x3FB3]  }
0x39: {  	_ = 	snop;
	(pc) =	sbr.ind lr, $3  }
0x3a: {  	_ = 	snop  }
0x3b: {  	_ = 	snop  }
0x3c: {  	p2 =	seq.s32 s10, $0x1;
	s10 =	sld [smem:$0x3FB2]  }
0x3d: {  	_ =	shalt  }
0x3e: {  	_ =	shalt  }
0x3f: {  	_ =	shalt  }
0x40: {  	_ =	shalt  }
0x41: {  	_ =	shalt  }
0x42: {  	_ =	shalt  }
0x43: {  	_ =	shalt  }
0x44: {  	_ =	shalt  }
0x45: {  	_ =	shalt  }
0x46: {  	_ =	shalt  }
0x47: {  	_ =	shalt  }
0x48: {  	_ =	shalt  }
0x49: {  	_ =	shalt  }
0x4a: {  	_ =	shalt  }
0x4b: {  	_ =	shalt  }
0x4c: {  	_ =	shalt  }
0x4d: {  	_ =	shalt  }
0x4e: {  	_ =	shalt  }
0x4f: {  	_ =	shalt  }
0x50: {  	_ =	shalt  }
0x51: {  	_ =	shalt  }
0x52: {  	_ =	shalt  }
0x53: {  	_ =	shalt  }
0x54: {  	_ =	shalt  }
0x55: {  	_ =	shalt  }
0x56: {  	_ =	shalt  }
0x57: {  	_ =	shalt  }
0x58: {  	_ =	shalt  }
0x59: {  	_ =	shalt  }
0x5a: {  	_ =	shalt  }
0x5b: {  	_ =	shalt  }
0x5c: {  	_ =	shalt  }
0x5d: {  	_ =	shalt  }
0x5e: {  	_ =	shalt  }
0x5f: {  	_ =	shalt  }
0x60: {  	_ =	shalt  }
0x61: {  	_ =	shalt  }
0x62: {  	_ =	shalt  }
0x63: {  	_ =	shalt  }
0x64: {  	_ =	shalt  }
0x65: {  	_ =	shalt  }
0x66: {  	_ =	shalt  }
0x67: {  	_ =	shalt  }
0x68: {  	_ =	shalt  }
0x69: {  	_ =	shalt  }
0x6a: {  	_ =	shalt  }
0x6b: {  	_ =	shalt  }
0x6c: {  	_ =	shalt  }
0x6d: {  	_ =	shalt  }
0x6e: {  	_ =	shalt  }
0x6f: {  	_ =	shalt  }
0x70: {  	_ =	shalt  }
0x71: {  	_ =	shalt  }
0x72: {  	_ =	shalt  }
0x73: {  	_ =	shalt  }
0x74: {  	_ =	shalt  }
0x75: {  	_ =	shalt  }
0x76: {  	_ =	shalt  }
0x77: {  	_ =	shalt  }
0x78: {  	_ =	shalt  }
0x79: {  	_ =	shalt  }
0x7a: {  	_ =	shalt  }
0x7b: {  	_ =	shalt  }
0x7c: {  	_ =	shalt  }
0x7d: {  	_ =	shalt  }
0x7e: {  	_ =	shalt  }
0x7f: {  	_ =	shalt  }
0x80: {  	_ =	shalt  }
0x81: {  	_ =	shalt  }
0x82: {  	_ =	shalt  }
0x83: {  	_ =	shalt  }
0x84: {  	_ =	shalt  }
0x85: {  	_ =	shalt  }
0x86: {  	_ =	shalt  }
0x87: {  	_ =	shalt  }
.Lfunc_end0:
.L_simem_size_0:
called_computation.2_lowered:
.L_overlay_start_0:
0x88: {  	s2 =	sld [smem:$0x3FD9]  }
0x89: {  	s3 =	sld [smem:$0x3FFE];
	_ =	sdelay $0x1  }
0x8a: {  	s1 =	srdreg.scid  }
0x8b: {  	s0 =	sand.u32 $0x1, s1  }
0x8c: {  	s17 =	sshll.u32 s0, $0xA;
	s2 =	sadd.s32 s3, s2  }
0x8d: {  	s2 =	sadd.s32 s2, s17  }
0x8e: {  	[smem:$0x3FBE] =	sst s2  }
0x8f: {  	_ = 	snop  }
0x90: {  	s2 =	sld [smem:$0x3FC9];
	(tm) =	ssettm $0x1  }
0x91: {  	s18 =	sld [smem:$0x3FFB];
	_ =	sdelay $0x3  }
0x92: {  	_ =	strace s18  }
0x93: {  	s3 =	sld [smem:$0x3FFC];
	_ =	sdelay $0x3  }
0x94: {  	_ =	strace s3  }
0x95: {  	s3 =	sld [smem:$0x3FFD];
	_ =	sdelay $0x3  }
0x96: {  	_ =	strace s3  }
0x97: {  	_ =	strace $0x8FFFFFFF  }
0x98: {  	s19 =	sld [smem:$0x3FDB];
	_ =	sdelay $0x1  }
0x99: {  	s4 =	simm.s32 $_scs_section_size  }
0x9a: {  	s5 =	simm.s32 $_size__tile_overlayer_lowered;
	s6 =	simm.s32 $_tile_overlayer_lowered  }
0x9b: {  	s22 =	simm.s32 $0x1BFF;
	s21 =	sshll.u32 s6, $0x1;
	s3 =	sadd.s32 s4, s19  }
0x9c: {  	s7 =	simm.s32 $0x0;
	s20 =	sshll.u32 s5, $0x1;
	s5 =	sadd.s32 s21, s3  }
0x9d: {  	[timem:s7], [sflag:s22] =	dma.local [hbm:s5], s20  }
0x9e: {  	_ =	swait.ge [sflag:s22], s20  }
0x9f: {  	s4 =	ssub.s32 $0x0, s20;
	[sflag:s22] =	ssyncset.done $0x0  }
0xa0: {  	[sflag:s22] =	ssyncadd.s32 s4;
	_ =	sdelay $0x1  }
0xa1: {  	s23 =	simm.s32 $0x1B8B  }
0xa2: {  	_ =	swait.ge [sflag:s23], $0x1  }
0xa3: {  	[sflag:s23] =	ssyncset.done $0x0  }
0xa4: {  	s25 =	simm.s32 $0x1B8E;
	s24 =	sld [smem:$0x3FFE];
	[sflag:s23] =	ssyncadd.s32 $0xFFFFFFFF  }
0xa5: {  	s26 =	simm.s32 $execute0_lowered;
	[smem:$0x3FD2] =	sst s25  }
0xa6: {  	s5 =	sshll.u32 s26, $0x1;
	_ =	strace $0x80000046;
	[dreg:$0x1] =	wrdreg $0xFFFFFFFF  }
0xa7: {  	s28 =	simm.s32 $_size_execute0_lowered;
	s3 =	sadd.s32 s3, s5;
	[dreg:$0x0] =	wrdreg $0x0  }
0xa8: {  	s5 =	sshll.u32 s28, $0x1;
	[dreg:$0x2] =	wrdreg s3  }
0xa9: {  	[dreg:$0x3] =	wrdreg s5  }
0xaa: {  	[dreg:$0x4] =	wrdreg $0xC0  }
0xab: {  	_ =	task [dreg:s7], $0x5FFFF  }
0xac: {  	[dreg:$0x1] =	wrdreg $0xFFFFFFFF  }
0xad: {  	[dreg:$0x0] =	wrdreg $0x60  }
0xae: {  	[dreg:$0x2] =	wrdreg s2  }
0xaf: {  	[dreg:$0x3] =	wrdreg s24  }
0xb0: {  	[dreg:$0x4] =	wrdreg $0x90000  }
0xb1: {  	[dreg:$0x5] =	wrdreg $0xB  }
0xb2: {  	_ =	task.clear_ibuf [dreg:s7], $0x6FFFF;
	_ =	strace $0x90000046  }
0xb3: {  	s29 =	simm.s32 $0xB;
	_ =	strace $0x80000048  }
0xb4: {  	_ =	swait.ge [sflag:s29], $0x1  }
0xb5: {  	[sflag:s29] =	ssyncadd.s32 $0xFFFFFFFF  }
0xb6: {  	_ =	strace $0x90000048  }
0xb7: {  	_ =	sfence  }
0xb8: {  	s30 =	sld [smem:$0x0];
	_ =	sdelay $0x2  }
0xb9: {  	s31 =	sshll.u32 s1, $0xD;
	s1 =	sshrl.u32 s1, $0x2  }
0xba: {  	s3 =	sand.u32 $0x4000, s31;
	s1 =	sadd.s32 s1, s30  }
0xbb: {  	s0 =	sor.u32 s3, s0;
	s1 =	sshll.u32 s1, $0x11  }
0xbc: {  	s0 =	sor.u32 s1, s0  }
0xbd: {  	s0 =	sadd.s32 $0x8F2B, s0  }
0xbe: {  	[sflag:s0] =	ssyncadd.remote.s32 $0x1  }
0xbf: {  	_ =	sfence.sel $0xFFFF  }
0xc0: {  	[dreg:$0x0] =	wrdreg $0xFFFFFFFF;
	(pc) =	sbr.abs _section_cstart, $3  }
0xc1: {  	[dreg:$0x1] =	wrdreg $0xFFFFFFFF  }
0xc2: {  	_ =	task.clear_ibuf [dreg:s7], $0x2FFFF;
	_ =	strace $0x9FFFFFFF  }
0xc3: {  	(tm) =	ssettm $0x7FFFFFFF  }
tec
execute0_lowered:
.L_overlay_start_1:
0x0: {  	(tag) =	ssettag $0x1  }
0x1: {  	s1 =	rddreg [dreg:$0x0]  }
0x2: {  	s2 =	srdreg.scid;
	s6 =	rddreg [dreg:$0x1]  }
0x3: {  	s0 =	stileid.u32;
	s3 =	rddreg [dreg:$0x2];
	s4 =	simm.s32 $0x0  }
0x4: {  	s14 =	simm.s32 $0x80;
	s15 =	simm.s32 $0x5000;
	s16 =	simm.s32 $0x1  }
0x5: {  	s17 =	simm.s32 $0x0;
	s5 =	sand.u32 $0x1, s2;
	s9 =	smul.u32 $0xA000, s0  }
0x6: {  	s29 =	sshll.u32 s0, $0x1;
	[smem:$0x7FF] =	sst s4;
	s11 =	smul.u32 $0x28000, s0  }
0x7: {  	s12 =	sshll.u32 s0, $0x6;
	s2 =	sor.u32 s5, s29;
	s8 =	smul.u32 $0xA0000, s5  }
0x8: {  	s30 =	ssub.s32 $0x2, s5;
	s5 =	sadd.s32 $0x18600, s6;
	s12 =	sor.u32 $0x1C02, s12  }
0x9: {  	s7 =	smul.u32 $0x500, s2;
	s2 =	rddreg [dreg:$0x3];
	_ =	strace $0x80000047  }
0xa: {  	s10 =	sshrl.u32 s30, $0x1;
	s31 =	sshrl.u32 s11, $0x2;
	s11 =	simm.s32 $0x2800  }
0xb: {  	s8 =	sadd.s32 s9, s8;
	s9 =	ssub.s32 s30, s10;
	s13 =	sadd.s32 s31, s3  }
0xc: {  	s10 =	simm.s32 $0x2;
	s7 =	sadd.s32 s7, s6;
	s8 =	sshrl.u32 s8, $0x3  }
0xd: {  	s9 =	smax.u32 s9, $0x1;
	s13 =	sshrl.u32 s13, $0x3;
	s8 =	sadd.s32 s8, s6  }
0xe: {  	s6 =	sadd.s32 $0xE600, s7;
	s7 =	sadd.s32 $0x4600, s7;
	s8 =	sadd.s32 $0x1AE00, s8  }
.LBB2_1:
0xf: {  	[tilespmem:s4], [sflag:$0x2] =	stream.linear.gather [hbm4b:s6+s4], $0x2780, $0x38;
	[tilespmem:$0x13000] =	vst v63  }
0x10: {  	_ =	swait.ge [sflag:s10], $0x2780  }
0x11: {  	[sflag:s10] =	ssyncset.done $0x0  }
0x12: {  	[sflag:s10] =	ssyncadd.s32 $0xFFFFD880  }
0x13: {  	[tilespmem:s11], [sflag:$0x2] =	stream.linear.gather [hbm4b:s7+s4], $0x2780, $0x38;
	[tilespmem:$0x13000] =	vst v63  }
0x14: {  	_ =	swait.ge [sflag:s10], $0x2780  }
0x15: {  	[sflag:s10] =	ssyncset.done $0x0  }
0x16: {  	[sflag:s10] =	ssyncadd.s32 $0xFFFFD880  }
0x17: {  	[spmem:s13], [sflag:s12] =	dma.local [hbm:s5], $0x1400  }
0x18: {  	_ =	swait.ge [sflag:s10], $0x1400  }
0x19: {  	[sflag:s10] =	ssyncset.done $0x0  }
0x1a: {  	[sflag:s10] =	ssyncadd.s32 $0xFFFFEC00  }
0x1b: {  	s18 =	simm.s32 $0x0;
	[bflag:$0x0] =	sbarrier.arrive $0xFFFF  }
0x1c: {  	[tilespmem:s15], [sflag:$0x1] =	stream.indirect.gather [hbm4b:s1+s14], $0x80, s18, s14, $0xb8;
	[tilespmem:$0x13000] =	vst v63  }
0x1d: {  	_ =	swait.ge [sflag:s16], $0x4000  }
0x1e: {  	[sflag:s16] =	ssyncset.done $0x0  }
0x1f: {  	s31 =	simm.s32 $0x2800;
	[sflag:s16] =	ssyncadd.s32 $0xFFFFC000  }
0x20: {  	[spmem:s3] =	stream.indirect.scatter.add.f32 [tilespmem:s15], [sflag:$0x2], $0x80, s31, s14, $0xb8;
	[tilespmem:$0x13000] =	vst v63  }
0x21: {  	_ =	swait.ge [sflag:s10], $0x4000  }
0x22: {  	s19 =	simm.s32 $0x400;
	s18 =	simm.s32 $0x200;
	[sflag:s10] =	ssyncset.done $0x0  }
.LBB2_2:
0x23: {  	s20 =	sshra.s32 s18, $0x2  }
0x24: {  	[sflag:s10] =	ssyncadd.s32 $0xFFFFC000;
	s18 =	smov.u32 s19;
	s21 =	sadd.s32 $0x200, s19  }
0x25: {  	[tilespmem:s15], [sflag:$0x1] =	stream.indirect.gather [hbm4b:s1+s14], $0x80, s20, s14, $0xb8;
	[tilespmem:$0x13000] =	vst v63  }
0x26: {  	p0 =	sne.s32 s19, $0x9C00;
	_ =	swait.ge [sflag:s16], $0x4000  }
.Ltmp0:
0x27: {  	[sflag:s16] =	ssyncset.done $0x0;
	(pc) =	sbr.rel @p0 .LBB2_2-.Ltmp0, $4  }
0x28: {  	s19 =	sadd.s32 $0x2800, s20;
	[sflag:s16] =	ssyncadd.s32 $0xFFFFC000  }
0x29: {  	[spmem:s3] =	stream.indirect.scatter.add.f32 [tilespmem:s15], [sflag:$0x2], $0x80, s19, s14, $0xb8;
	[tilespmem:$0x13000] =	vst v63  }
0x2a: {  	_ =	swait.ge [sflag:s10], $0x4000  }
0x2b: {  	s19 =	smov.u32 s21;
	[sflag:s10] =	ssyncset.done $0x0  }
0x2c: {  	s18 =	sshra.s32 s18, $0x2;
	[sflag:s10] =	ssyncadd.s32 $0xFFFFC000  }
0x2d: {  	[tilespmem:s15], [sflag:$0x1] =	stream.indirect.gather [hbm4b:s1+s14], $0x80, s18, s14, $0xb8;
	[tilespmem:$0x13000] =	vst v63  }
0x2e: {  	_ =	swait.ge [sflag:s16], $0x4000  }
0x2f: {  	[sflag:s16] =	ssyncset.done $0x0  }
0x30: {  	s18 =	sadd.s32 $0x2800, s18;
	[sflag:s16] =	ssyncadd.s32 $0xFFFFC000  }
0x31: {  	[spmem:s3] =	stream.indirect.scatter.add.f32 [tilespmem:s15], [sflag:$0x2], $0x80, s18, s14, $0xb8;
	[tilespmem:$0x13000] =	vst v63  }
0x32: {  	_ =	swait.ge [sflag:s10], $0x4000  }
0x33: {  	s17 =	sadd.s32 $0x1, s17;
	[sflag:s10] =	ssyncset.done $0x0  }
0x34: {  	p0 =	sne.s32 s17, s9;
	[sflag:s10] =	ssyncadd.s32 $0xFFFFC000  }
.Ltmp1:
0x35: {  	[bflag:$0x0] =	sbarrier.arrive $0xFFFF;
	(pc) =	sbr.rel @p0 .LBB2_1-.Ltmp1, $4  }
0x36: {  	[hbm:s8], [sflag:s12] =	dma.local [spmem:s13], $0x1400  }
0x37: {  	_ =	swait.ge [sflag:s10], $0x1400  }
0x38: {  	[sflag:s10] =	ssyncset.done $0x0  }
0x39: {  	[sflag:s10] =	ssyncadd.s32 $0xFFFFEC00  }
0x3a: {  	_ =	sfence.sel $0x180000  }
0x3b: {  	[bflag:$0x0] =	sbarrier.arrive $0xFFFF  }
0x3c: {  	p0 =	sne.s32 s0, $0x0;
	_ =	strace $0x90000047  }
0x3d: {  	s0 =	sadd.s32 @!p0 $0x100000, s2;
	[bflag:$0x2] =	sbarrier.arrive $0xFFFF  }
0x3e: {  	[sflag:s0] =	ssyncadd.tile.s32 @!p0 $0x1;
	_ =	shalt  }
.Lfunc_end2:
_tile_overlayer_lowered:
.L_overlay_start_2:
0x3f: {  	(tag) =	ssettag $0x2  }
0x40: {  	s0 =	rddreg [dreg:$0x0];
	s2 =	stileid.u32  }
0x41: {  	s1 =	rddreg [dreg:$0x1];
	p0 =	sne.s32 s2, $0x0  }
0x42: {  	s3 =	rddreg [dreg:$0x2];
	[bflag:$0x3] =	sbarrier.arrive $0xFFFF;
	s2 =	simm.s32 @!p0 $0x1C02  }
0x43: {  	[timem:s3], [sflag:s2] =	dma.local @!p0 [hbm:s0], s1  }
0x44: {  	s0 =	simm.s32 @!p0 $0x2  }
0x45: {  	_ =	swait.ge @!p0 [sflag:s0], s1  }
0x46: {  	s1 =	ssub.s32 @!p0 $0x0, s1;
	[sflag:s0] =	ssyncset.done @!p0 $0x0  }
0x47: {  	[sflag:s0] =	ssyncadd.s32 @!p0 s1  }
0x48: {  	[bflag:$0x3] =	sbarrier.arrive $0xFFFF  }
0x49: {  	_ =	shalt  }

// kernel: kernel.21.cloned.1.call-start
scs
__scs_entry_jumppad:
0x0: {  	(pc) =	sbr.rel $0x88, $3  }
0x1: {  	(tag) =	ssettag $0x0;
	lr =	simm.s32 $0x1  }
0x2: {  	[smem:$0x3F97] =	sst lr;
	_ =	strace $0xD0000000  }
0x3: {  	_ = 	snop  }
0x4: {  	_ = 	snop  }
0x5: {  	_ = 	snop  }
0x6: {  	_ = 	snop  }
0x7: {  	_ = 	snop  }
__scs_overlays_trampoline_lowered:
0x8: {  	[smem:$0x3FA6] =	sst s0  }
0x9: {  	[smem:$0x3FA7] =	sst s1  }
0xa: {  	[smem:$0x3FA8] =	sst s2  }
0xb: {  	[smem:$0x3FA9] =	sst s3  }
0xc: {  	[smem:$0x3FAA] =	sst s4  }
0xd: {  	[smem:$0x3FAB] =	sst s5  }
0xe: {  	[smem:$0x3FAC] =	sst s6  }
0xf: {  	[smem:$0x3FAD] =	sst s7  }
0x10: {  	[smem:$0x3FAE] =	sst s8  }
0x11: {  	[smem:$0x3FAF] =	sst s9;
	s0 =	simm.s32 @!p0 $0x0  }
0x12: {  	s1 =	sld [smem:$0x3F95];
	s0 =	simm.s32 @p0 $0x1  }
0x13: {  	[smem:$0x3FB0] =	sst s0;
	s0 =	simm.s32 @!p1 $0x0  }
0x14: {  	s2 =	sld [smem:$0x3F94];
	s0 =	simm.s32 @p1 $0x1  }
0x15: {  	[smem:$0x3FB1] =	sst s0;
	s0 =	simm.s32 @!p2 $0x0  }
0x16: {  	s3 =	sld [smem:$0x3FDB];
	s0 =	simm.s32 @p2 $0x1  }
0x17: {  	s4 =	simm.s32 $0x1BF5;
	[smem:$0x3FB3] =	sst s0  }
0x18: {  	s0 =	sld [smem:$0x3F96];
	_ =	swait.ge [sflag:s4], $0x0  }
0x19: {  	s7 =	sld [smem:$0x3F97]  }
0x1a: {  	s8 =	sadd.s32 $0xFFFFE003, lr  }
0x1b: {  	s9 =	sadd.s32 $0xFFFFFEF7, lr;
	s5 =	simm.s32 $0xFFFFFFFF;
	p2 =	slt.u32 s8, $0xFFFFF086  }
0x1c: {  	p1 =	slt.u32 s9, $0xF7A;
	s5 =	simm.s32 @!p2 $0x0  }
0x1d: {  	s5 =	simm.s32 @p1 $0x1;
	p0 =	seq.s32 s7, s2  }
0x1e: {  	s7 =	smul.u32 @!p0 $0xF7A, s2;
	p2 =	seq.s32 @!p0 s5, $0x0  }
0x1f: {  	s9 =	smul.u32 $0xF7A, s1;
	s8 =	simm.s32 @!p0 $0x1BF5;
	p2 =	por !p2, p0  }
0x20: {  	[sflag:s8] =	ssyncset.s32 @!p0 $0xFFFFF086;
	s6 =	sadd.s32 @!p0 s3, s7;
	s7 =	simm.s32 @!p0 $0x108  }
0x21: {  	s3 =	sadd.s32 s3, s9;
	s6 =	sadd.s32 @!p0 $0x88, s6;
	s7 =	simm.s32 @p2 $0x1082  }
0x22: {  	[simem:s7], [sflag:s8] =	dma.local @!p0 [hbm:s6], $0xF7A  }
0x23: {  	s9 =	sor.u32 $0xD0000000, s2;
	s6 =	simm.s32 $0x108;
	_ =	swait.ge @!p0 [sflag:s8], $0x0  }
0x24: {  	s3 =	sadd.s32 $0x88, s3;
	s6 =	simm.s32 @!p1 $0x1082;
	[sflag:s4] =	ssyncset.s32 $0xFFFFF086  }
0x25: {  	[simem:s6], [sflag:s4] =	dma.local [hbm:s3], $0xF7A  }
0x26: {  	[smem:$0x3F97] =	sst s1;
	(tag) =	ssettag s2;
	_ =	strace s9  }
0x27: {  	s1 =	sld [smem:$0x3FA7]  }
0x28: {  	s2 =	sld [smem:$0x3FA8]  }
0x29: {  	s4 =	sld [smem:$0x3FAA]  }
0x2a: {  	p0 =	seq.s32 s5, $0x0;
	s5 =	sld [smem:$0x3FAB]  }
0x2b: {  	s6 =	sld [smem:$0x3FAC]  }
0x2c: {  	s7 =	sld [smem:$0x3FAD]  }
0x2d: {  	s3 =	simm.s32 $0x108;
	s8 =	sld [smem:$0x3FAE]  }
0x2e: {  	s3 =	simm.s32 @!p0 $0x1082;
	s9 =	sld [smem:$0x3FAF]  }
0x2f: {  	lr =	sadd.s32 s0, s3;
	s0 =	sld [smem:$0x3FA6]  }
0x30: {  	s3 =	sld [smem:$0x3FA9]  }
0x31: {  	[smem:$0x3FB2] =	sst s10  }
0x32: {  	s10 =	sld [smem:$0x3FB0];
	_ =	sdelay $0x3  }
0x33: {  	p0 =	seq.s32 s10, $0x1;
	s10 =	sld [smem:$0x3FB2];
	_ =	sdelay $0x3  }
0x34: {  	[smem:$0x3FB2] =	sst s10  }
0x35: {  	s10 =	sld [smem:$0x3FB1];
	_ =	sdelay $0x3  }
0x36: {  	p1 =	seq.s32 s10, $0x1;
	s10 =	sld [smem:$0x3FB2];
	_ =	sdelay $0x3  }
0x37: {  	[smem:$0x3FB2] =	sst s10  }
0x38: {  	s10 =	sld [smem:$0x3FB3]  }
0x39: {  	_ = 	snop;
	(pc) =	sbr.ind lr, $3  }
0x3a: {  	_ = 	snop  }
0x3b: {  	_ = 	snop  }
0x3c: {  	p2 =	seq.s32 s10, $0x1;
	s10 =	sld [smem:$0x3FB2]  }
0x3d: {  	_ =	shalt  }
0x3e: {  	_ =	shalt  }
0x3f: {  	_ =	shalt  }
0x40: {  	_ =	shalt  }
0x41: {  	_ =	shalt  }
0x42: {  	_ =	shalt  }
0x43: {  	_ =	shalt  }
0x44: {  	_ =	shalt  }
0x45: {  	_ =	shalt  }
0x46: {  	_ =	shalt  }
0x47: {  	_ =	shalt  }
0x48: {  	_ =	shalt  }
0x49: {  	_ =	shalt  }
0x4a: {  	_ =	shalt  }
0x4b: {  	_ =	shalt  }
0x4c: {  	_ =	shalt  }
0x4d: {  	_ =	shalt  }
0x4e: {  	_ =	shalt  }
0x4f: {  	_ =	shalt  }
0x50: {  	_ =	shalt  }
0x51: {  	_ =	shalt  }
0x52: {  	_ =	shalt  }
0x53: {  	_ =	shalt  }
0x54: {  	_ =	shalt  }
0x55: {  	_ =	shalt  }
0x56: {  	_ =	shalt  }
0x57: {  	_ =	shalt  }
0x58: {  	_ =	shalt  }
0x59: {  	_ =	shalt  }
0x5a: {  	_ =	shalt  }
0x5b: {  	_ =	shalt  }
0x5c: {  	_ =	shalt  }
0x5d: {  	_ =	shalt  }
0x5e: {  	_ =	shalt  }
0x5f: {  	_ =	shalt  }
0x60: {  	_ =	shalt  }
0x61: {  	_ =	shalt  }
0x62: {  	_ =	shalt  }
0x63: {  	_ =	shalt  }
0x64: {  	_ =	shalt  }
0x65: {  	_ =	shalt  }
0x66: {  	_ =	shalt  }
0x67: {  	_ =	shalt  }
0x68: {  	_ =	shalt  }
0x69: {  	_ =	shalt  }
0x6a: {  	_ =	shalt  }
0x6b: {  	_ =	shalt  }
0x6c: {  	_ =	shalt  }
0x6d: {  	_ =	shalt  }
0x6e: {  	_ =	shalt  }
0x6f: {  	_ =	shalt  }
0x70: {  	_ =	shalt  }
0x71: {  	_ =	shalt  }
0x72: {  	_ =	shalt  }
0x73: {  	_ =	shalt  }
0x74: {  	_ =	shalt  }
0x75: {  	_ =	shalt  }
0x76: {  	_ =	shalt  }
0x77: {  	_ =	shalt  }
0x78: {  	_ =	shalt  }
0x79: {  	_ =	shalt  }
0x7a: {  	_ =	shalt  }
0x7b: {  	_ =	shalt  }
0x7c: {  	_ =	shalt  }
0x7d: {  	_ =	shalt  }
0x7e: {  	_ =	shalt  }
0x7f: {  	_ =	shalt  }
0x80: {  	_ =	shalt  }
0x81: {  	_ =	shalt  }
0x82: {  	_ =	shalt  }
0x83: {  	_ =	shalt  }
0x84: {  	_ =	shalt  }
0x85: {  	_ =	shalt  }
0x86: {  	_ =	shalt  }
0x87: {  	_ =	shalt  }
.Lfunc_end0:
.L_simem_size_0:
called_computation.3_lowered:
.L_overlay_start_0:
0x88: {  	s2 =	sld [smem:$0x3FD9]  }
0x89: {  	s3 =	sld [smem:$0x3FFE];
	_ =	sdelay $0x1  }
0x8a: {  	s1 =	srdreg.scid  }
0x8b: {  	s0 =	sand.u32 $0x1, s1  }
0x8c: {  	s17 =	sshll.u32 s0, $0xA;
	s2 =	sadd.s32 s3, s2  }
0x8d: {  	s2 =	sadd.s32 s2, s17  }
0x8e: {  	[smem:$0x3FBE] =	sst s2  }
0x8f: {  	_ = 	snop  }
0x90: {  	s18 =	sld [smem:$0x3FD0];
	(tm) =	ssettm $0x1  }
0x91: {  	s19 =	sld [smem:$0x3FFB];
	_ =	sdelay $0x3  }
0x92: {  	_ =	strace s19  }
0x93: {  	s2 =	sld [smem:$0x3FFC];
	_ =	sdelay $0x3  }
0x94: {  	_ =	strace s2  }
0x95: {  	s2 =	sld [smem:$0x3FFD];
	_ =	sdelay $0x3  }
0x96: {  	_ =	strace s2  }
0x97: {  	_ =	strace $0x8FFFFFFF  }
0x98: {  	s20 =	sld [smem:$0x3FDB];
	_ =	sdelay $0x1  }
0x99: {  	s4 =	simm.s32 $_scs_section_size  }
0x9a: {  	s5 =	simm.s32 $_size__tile_overlayer_lowered;
	s6 =	simm.s32 $_tile_overlayer_lowered  }
0x9b: {  	s7 =	simm.s32 $0x1BFF;
	s21 =	sshll.u32 s6, $0x1;
	s4 =	sadd.s32 s4, s20  }
0x9c: {  	s22 =	simm.s32 $0x0;
	s5 =	sshll.u32 s5, $0x1;
	s6 =	sadd.s32 s21, s4  }
0x9d: {  	[timem:s22], [sflag:s7] =	dma.local [hbm:s6], s5  }
0x9e: {  	_ =	swait.ge [sflag:s7], s5  }
0x9f: {  	s5 =	ssub.s32 $0x0, s5;
	[sflag:s7] =	ssyncset.done $0x0  }
0xa0: {  	[sflag:s7] =	ssyncadd.s32 s5;
	_ =	sdelay $0x1  }
0xa1: {  	s23 =	simm.s32 $0x1B8B  }
0xa2: {  	_ =	swait.ge [sflag:s23], $0x1  }
0xa3: {  	[sflag:s23] =	ssyncset.done $0x0  }
0xa4: {  	[sflag:s23] =	ssyncadd.s32 $0xFFFFFFFF  }
0xa5: {  	s5 =	sld [smem:$0x0]  }
0xa6: {  	s6 =	sand.u32 $0xFFFFFFFE, s1  }
0xa7: {  	p0 =	sne.s32 s1, s6  }
0xa8: {  	s6 =	sshll.u32 @p0 s6, $0xE  }
0xa9: {  	s6 =	sadd.s32 @p0 $0x11B8D, s6;
	s7 =	sshll.u32 @p0 s5, $0x11  }
0xaa: {  	s6 =	sor.u32 @p0 s7, s6  }
0xab: {  	[sflag:s6] =	ssyncadd.remote.s32 @p0 $0x1;
	_ =	sdelay $0x1  }
0xac: {  	s6 =	simm.s32 @p0 $0x1B8D  }
0xad: {  	_ =	swait.eq @p0 [sflag:s6], $0x1  }
0xae: {  	[sflag:s6] =	ssyncadd.s32 @p0 $0xFFFFFFFF  }
0xaf: {  	s7 =	sshll.u32 @!p0 s1, $0xE  }
0xb0: {  	s7 =	sor.u32 @!p0 $0x4000, s7;
	s6 =	simm.s32 @!p0 $0x1B8D  }
0xb1: {  	s5 =	sshll.u32 @!p0 s5, $0x11;
	s7 =	sadd.s32 @!p0 $0x11B8D, s7;
	_ =	swait.eq @!p0 [sflag:s6], $0x1  }
0xb2: {  	s5 =	sor.u32 @!p0 s5, s7;
	[sflag:s6] =	ssyncadd.s32 @!p0 $0xFFFFFFFF  }
0xb3: {  	s25 =	simm.s32 $0x1B8E;
	s24 =	sld [smem:$0x3FFE];
	[sflag:s5] =	ssyncadd.remote.s32 @!p0 $0x1  }
0xb4: {  	s26 =	simm.s32 $execute0_lowered;
	[smem:$0x3FD2] =	sst s25  }
0xb5: {  	s6 =	sshll.u32 s26, $0x1;
	_ =	strace $0x8000004F;
	[dreg:$0x1] =	wrdreg $0xFFFFFFFF  }
0xb6: {  	s28 =	simm.s32 $_size_execute0_lowered;
	s4 =	sadd.s32 s4, s6;
	[dreg:$0x0] =	wrdreg $0x0  }
0xb7: {  	s6 =	sshll.u32 s28, $0x1;
	[dreg:$0x2] =	wrdreg s4  }
0xb8: {  	[dreg:$0x3] =	wrdreg s6  }
0xb9: {  	[dreg:$0x4] =	wrdreg $0xC0  }
0xba: {  	_ =	task [dreg:s22], $0x5FFFF  }
0xbb: {  	[dreg:$0x1] =	wrdreg $0xFFFFFFFF  }
0xbc: {  	[dreg:$0x0] =	wrdreg $0x60  }
0xbd: {  	[dreg:$0x2] =	wrdreg s18  }
0xbe: {  	[dreg:$0x3] =	wrdreg s24  }
0xbf: {  	[dreg:$0x4] =	wrdreg $0x90000  }
0xc0: {  	[dreg:$0x5] =	wrdreg $0xA  }
0xc1: {  	_ =	task.clear_ibuf [dreg:s22], $0x6FFFF;
	_ =	strace $0x9000004F  }
0xc2: {  	s29 =	simm.s32 $0xA;
	_ =	strace $0x80000051  }
0xc3: {  	_ =	swait.ge [sflag:s29], $0x1  }
0xc4: {  	[sflag:s29] =	ssyncadd.s32 $0xFFFFFFFF  }
0xc5: {  	_ =	strace $0x90000051  }
0xc6: {  	_ =	sfence  }
0xc7: {  	s30 =	sld [smem:$0x0];
	_ =	sdelay $0x2  }
0xc8: {  	s31 =	sshll.u32 s1, $0xD;
	s1 =	sshrl.u32 s1, $0x2  }
0xc9: {  	s4 =	sand.u32 $0x4000, s31;
	s1 =	sadd.s32 s1, s30  }
0xca: {  	s0 =	sor.u32 s4, s0;
	s1 =	sshll.u32 s1, $0x11  }
0xcb: {  	s0 =	sor.u32 s1, s0  }
0xcc: {  	s0 =	sadd.s32 $0x8F2B, s0  }
0xcd: {  	[sflag:s0] =	ssyncadd.remote.s32 $0x1  }
0xce: {  	_ =	sfence.sel $0xFFFF  }
0xcf: {  	[dreg:$0x0] =	wrdreg $0xFFFFFFFF;
	(pc) =	sbr.abs _section_cstart, $3  }
0xd0: {  	[dreg:$0x1] =	wrdreg $0xFFFFFFFF  }
0xd1: {  	_ =	task.clear_ibuf [dreg:s22], $0x2FFFF;
	_ =	strace $0x9FFFFFFF  }
0xd2: {  	(tm) =	ssettm $0x7FFFFFFF  }
0xd3: {  	_ =	shalt  }
tec
execute0_lowered:
.L_overlay_start_1:
0x0: {  	(tag) =	ssettag $0x1  }
0x1: {  	s1 =	rddreg [dreg:$0x0]  }
0x2: {  	s2 =	srdreg.scid;
	s6 =	rddreg [dreg:$0x1]  }
0x3: {  	s0 =	stileid.u32;
	s3 =	rddreg [dreg:$0x2];
	s4 =	simm.s32 $0x0  }
0x4: {  	s14 =	simm.s32 $0x80;
	s15 =	simm.s32 $0x5000;
	s16 =	simm.s32 $0x1  }
0x5: {  	s17 =	simm.s32 $0x0;
	s5 =	sand.u32 $0x1, s2;
	s9 =	smul.u32 $0x13C00, s0  }
0x6: {  	s29 =	sshll.u32 s0, $0x1;
	[smem:$0x7FF] =	sst s4;
	s11 =	smul.u32 $0x4F000, s0  }
0x7: {  	s12 =	sshll.u32 s0, $0x6;
	s2 =	sor.u32 s5, s29;
	s8 =	smul.u32 $0x13C000, s5  }
0x8: {  	s30 =	ssub.s32 $0x2, s5;
	s5 =	sadd.s32 $0x18600, s6;
	s12 =	sor.u32 $0x1C02, s12  }
0x9: {  	s7 =	smul.u32 $0x500, s2;
	s2 =	rddreg [dreg:$0x3];
	_ =	strace $0x80000050  }
0xa: {  	s10 =	sshrl.u32 s30, $0x1;
	s31 =	sshrl.u32 s11, $0x2;
	s11 =	simm.s32 $0x2800  }
0xb: {  	s8 =	sadd.s32 s9, s8;
	s9 =	ssub.s32 s30, s10;
	s13 =	sadd.s32 s31, s3  }
0xc: {  	s10 =	simm.s32 $0x2;
	s7 =	sadd.s32 s7, s6;
	s8 =	sshrl.u32 s8, $0x3  }
0xd: {  	s9 =	smax.u32 s9, $0x1;
	s13 =	sshrl.u32 s13, $0x3;
	s8 =	sadd.s32 s8, s6  }
0xe: {  	s6 =	sadd.s32 $0xC4600, s7;
	s7 =	sadd.s32 $0x6B600, s7;
	s8 =	sadd.s32 $0xCE600, s8  }
.LBB2_1:
0xf: {  	[tilespmem:s4], [sflag:$0x2] =	stream.linear.gather [hbm4b:s6+s4], $0x2780, $0x38;
	[tilespmem:$0x1CC00] =	vst v63  }
0x10: {  	_ =	swait.ge [sflag:s10], $0x2780  }
0x11: {  	[sflag:s10] =	ssyncset.done $0x0  }
0x12: {  	[sflag:s10] =	ssyncadd.s32 $0xFFFFD880  }
0x13: {  	[tilespmem:s11], [sflag:$0x2] =	stream.linear.gather [hbm4b:s7+s4], $0x2780, $0x38;
	[tilespmem:$0x1CC00] =	vst v63  }
0x14: {  	_ =	swait.ge [sflag:s10], $0x2780  }
0x15: {  	[sflag:s10] =	ssyncset.done $0x0  }
0x16: {  	[sflag:s10] =	ssyncadd.s32 $0xFFFFD880  }
0x17: {  	[spmem:s13], [sflag:s12] =	dma.local [hbm:s5], $0x2780  }
0x18: {  	_ =	swait.ge [sflag:s10], $0x2780  }
0x19: {  	[sflag:s10] =	ssyncset.done $0x0  }
0x1a: {  	[sflag:s10] =	ssyncadd.s32 $0xFFFFD880  }
0x1b: {  	s18 =	simm.s32 $0x0;
	[bflag:$0x0] =	sbarrier.arrive $0xFFFF  }
0x1c: {  	[tilespmem:s15], [sflag:$0x1] =	stream.indirect.gather [hbm4b:s1+s14], $0x80, s18, s14, $0xb8;
	[tilespmem:$0x1CC00] =	vst v63  }
0x1d: {  	_ =	swait.ge [sflag:s16], $0x4000  }
0x1e: {  	[sflag:s16] =	ssyncset.done $0x0  }
0x1f: {  	s31 =	simm.s32 $0x2800;
	[sflag:s16] =	ssyncadd.s32 $0xFFFFC000  }
0x20: {  	[spmem:s3] =	stream.indirect.scatter.add.f32 [tilespmem:s15], [sflag:$0x2], $0x80, s31, s14, $0xb8;
	[tilespmem:$0x1CC00] =	vst v63  }
0x21: {  	_ =	swait.ge [sflag:s10], $0x4000  }
0x22: {  	s19 =	simm.s32 $0x400;
	s18 =	simm.s32 $0x200;
	[sflag:s10] =	ssyncset.done $0x0  }
.LBB2_2:
0x23: {  	s20 =	sshra.s32 s18, $0x2  }
0x24: {  	[sflag:s10] =	ssyncadd.s32 $0xFFFFC000;
	s18 =	smov.u32 s19;
	s21 =	sadd.s32 $0x200, s19  }
0x25: {  	[tilespmem:s15], [sflag:$0x1] =	stream.indirect.gather [hbm4b:s1+s14], $0x80, s20, s14, $0xb8;
	[tilespmem:$0x1CC00] =	vst v63  }
0x26: {  	p0 =	sne.s32 s19, $0x9C00;
	_ =	swait.ge [sflag:s16], $0x4000  }
.Ltmp0:
0x27: {  	[sflag:s16] =	ssyncset.done $0x0;
	(pc) =	sbr.rel @p0 .LBB2_2-.Ltmp0, $4  }
0x28: {  	s19 =	sadd.s32 $0x2800, s20;
	[sflag:s16] =	ssyncadd.s32 $0xFFFFC000  }
0x29: {  	[spmem:s3] =	stream.indirect.scatter.add.f32 [tilespmem:s15], [sflag:$0x2], $0x80, s19, s14, $0xb8;
	[tilespmem:$0x1CC00] =	vst v63  }
0x2a: {  	_ =	swait.ge [sflag:s10], $0x4000  }
0x2b: {  	s19 =	smov.u32 s21;
	[sflag:s10] =	ssyncset.done $0x0  }
0x2c: {  	s18 =	sshra.s32 s18, $0x2;
	[sflag:s10] =	ssyncadd.s32 $0xFFFFC000  }
0x2d: {  	[tilespmem:s15], [sflag:$0x1] =	stream.indirect.gather [hbm4b:s1+s14], $0x80, s18, s14, $0xb8;
	[tilespmem:$0x1CC00] =	vst v63  }
0x2e: {  	_ =	swait.ge [sflag:s16], $0x4000  }
0x2f: {  	[sflag:s16] =	ssyncset.done $0x0  }
0x30: {  	s18 =	sadd.s32 $0x2800, s18;
	[sflag:s16] =	ssyncadd.s32 $0xFFFFC000  }
0x31: {  	[spmem:s3] =	stream.indirect.scatter.add.f32 [tilespmem:s15], [sflag:$0x2], $0x80, s18, s14, $0xb8;
	[tilespmem:$0x1CC00] =	vst v63  }
0x32: {  	_ =	swait.ge [sflag:s10], $0x4000  }
0x33: {  	s17 =	sadd.s32 $0x1, s17;
	[sflag:s10] =	ssyncset.done $0x0  }
0x34: {  	p0 =	sne.s32 s17, s9;
	[sflag:s10] =	ssyncadd.s32 $0xFFFFC000  }
.Ltmp1:
0x35: {  	[bflag:$0x0] =	sbarrier.arrive $0xFFFF;
	(pc) =	sbr.rel @p0 .LBB2_1-.Ltmp1, $4  }
0x36: {  	[hbm:s8], [sflag:s12] =	dma.local [spmem:s13], $0x2780  }
0x37: {  	_ =	swait.ge [sflag:s10], $0x2780  }
0x38: {  	[sflag:s10] =	ssyncset.done $0x0  }
0x39: {  	[sflag:s10] =	ssyncadd.s32 $0xFFFFD880  }
0x3a: {  	_ =	sfence.sel $0x180000  }
0x3b: {  	[bflag:$0x0] =	sbarrier.arrive $0xFFFF  }
0x3c: {  	p0 =	sne.s32 s0, $0x0;
	_ =	strace $0x90000050  }
0x3d: {  	s0 =	sadd.s32 @!p0 $0x100000, s2;
	[bflag:$0x2] =	sbarrier.arrive $0xFFFF  }
0x3e: {  	[sflag:s0] =	ssyncadd.tile.s32 @!p0 $0x1;
	_ =	shalt  }
.Lfunc_end2:
_tile_overlayer_lowered:
.L_overlay_start_2:
0x3f: {  	(tag) =	ssettag $0x2  }
0x40: {  	s0 =	rddreg [dreg:$0x0];
	s2 =	stileid.u32  }
0x41: {  	s1 =	rddreg [dreg:$0x1];
	p0 =	sne.s32 s2, $0x0  }
0x42: {  	s3 =	rddreg [dreg:$0x2];
	[bflag:$0x3] =	sbarrier.arrive $0xFFFF;
	s2 =	simm.s32 @!p0 $0x1C02  }
0x43: {  	[timem:s3], [sflag:s2] =	dma.local @!p0 [hbm:s0], s1  }
0x44: {  	s0 =	simm.s32 @!p0 $0x2  }
0x45: {  	_ =	swait.ge @!p0 [sflag:s0], s1  }
0x46: {  	s1 =	ssub.s32 @!p0 $0x0, s1;
	[sflag:s0] =	ssyncset.done @!p0 $0x0  }
0x47: {  	[sflag:s0] =	ssyncadd.s32 @!p0 s1  }
0x48: {  	[bflag:$0x3] =	sbarrier.arrive $0xFFFF  }
0x49: {  	_ =	shalt  }

// kernel: kernel.24.cloned.1.call-start
scs
__scs_entry_jumppad:
0x0: {  	(pc) =	sbr.rel $0x88, $3  }
0x1: {  	(tag) =	ssettag $0x0;
	lr =	simm.s32 $0x1  }
0x2: {  	[smem:$0x3F97] =	sst lr;
	_ =	strace $0xD0000000  }
0x3: {  	_ = 	snop  }
0x4: {  	_ = 	snop  }
0x5: {  	_ = 	snop  }
0x6: {  	_ = 	snop  }
0x7: {  	_ = 	snop  }
__scs_overlays_trampoline_lowered:
0x8: {  	[smem:$0x3FA6] =	sst s0  }
0x9: {  	[smem:$0x3FA7] =	sst s1  }
0xa: {  	[smem:$0x3FA8] =	sst s2  }
0xb: {  	[smem:$0x3FA9] =	sst s3  }
0xc: {  	[smem:$0x3FAA] =	sst s4  }
0xd: {  	[smem:$0x3FAB] =	sst s5  }
0xe: {  	[smem:$0x3FAC] =	sst s6  }
0xf: {  	[smem:$0x3FAD] =	sst s7  }
0x10: {  	[smem:$0x3FAE] =	sst s8  }
0x11: {  	[smem:$0x3FAF] =	sst s9;
	s0 =	simm.s32 @!p0 $0x0  }
0x12: {  	s1 =	sld [smem:$0x3F95];
	s0 =	simm.s32 @p0 $0x1  }
0x13: {  	[smem:$0x3FB0] =	sst s0;
	s0 =	simm.s32 @!p1 $0x0  }
0x14: {  	s2 =	sld [smem:$0x3F94];
	s0 =	simm.s32 @p1 $0x1  }
0x15: {  	[smem:$0x3FB1] =	sst s0;
	s0 =	simm.s32 @!p2 $0x0  }
0x16: {  	s3 =	sld [smem:$0x3FDB];
	s0 =	simm.s32 @p2 $0x1  }
0x17: {  	s4 =	simm.s32 $0x1BF5;
	[smem:$0x3FB3] =	sst s0  }
0x18: {  	s0 =	sld [smem:$0x3F96];
	_ =	swait.ge [sflag:s4], $0x0  }
0x19: {  	s7 =	sld [smem:$0x3F97]  }
0x1a: {  	s8 =	sadd.s32 $0xFFFFE003, lr  }
0x1b: {  	s9 =	sadd.s32 $0xFFFFFEF7, lr;
	s5 =	simm.s32 $0xFFFFFFFF;
	p2 =	slt.u32 s8, $0xFFFFF086  }
0x1c: {  	p1 =	slt.u32 s9, $0xF7A;
	s5 =	simm.s32 @!p2 $0x0  }
0x1d: {  	s5 =	simm.s32 @p1 $0x1;
	p0 =	seq.s32 s7, s2  }
0x1e: {  	s7 =	smul.u32 @!p0 $0xF7A, s2;
	p2 =	seq.s32 @!p0 s5, $0x0  }
0x1f: {  	s9 =	smul.u32 $0xF7A, s1;
	s8 =	simm.s32 @!p0 $0x1BF5;
	p2 =	por !p2, p0  }
0x20: {  	[sflag:s8] =	ssyncset.s32 @!p0 $0xFFFFF086;
	s6 =	sadd.s32 @!p0 s3, s7;
	s7 =	simm.s32 @!p0 $0x108  }
0x21: {  	s3 =	sadd.s32 s3, s9;
	s6 =	sadd.s32 @!p0 $0x88, s6;
	s7 =	simm.s32 @p2 $0x1082  }
0x22: {  	[simem:s7], [sflag:s8] =	dma.local @!p0 [hbm:s6], $0xF7A  }
0x23: {  	s9 =	sor.u32 $0xD0000000, s2;
	s6 =	simm.s32 $0x108;
	_ =	swait.ge @!p0 [sflag:s8], $0x0  }
0x24: {  	s3 =	sadd.s32 $0x88, s3;
	s6 =	simm.s32 @!p1 $0x1082;
	[sflag:s4] =	ssyncset.s32 $0xFFFFF086  }
0x25: {  	[simem:s6], [sflag:s4] =	dma.local [hbm:s3], $0xF7A  }
0x26: {  	[smem:$0x3F97] =	sst s1;
	(tag) =	ssettag s2;
	_ =	strace s9  }
0x27: {  	s1 =	sld [smem:$0x3FA7]  }
0x28: {  	s2 =	sld [smem:$0x3FA8]  }
0x29: {  	s4 =	sld [smem:$0x3FAA]  }
0x2a: {  	p0 =	seq.s32 s5, $0x0;
	s5 =	sld [smem:$0x3FAB]  }
0x2b: {  	s6 =	sld [smem:$0x3FAC]  }
0x2c: {  	s7 =	sld [smem:$0x3FAD]  }
0x2d: {  	s3 =	simm.s32 $0x108;
	s8 =	sld [smem:$0x3FAE]  }
0x2e: {  	s3 =	simm.s32 @!p0 $0x1082;
	s9 =	sld [smem:$0x3FAF]  }
0x2f: {  	lr =	sadd.s32 s0, s3;
	s0 =	sld [smem:$0x3FA6]  }
0x30: {  	s3 =	sld [smem:$0x3FA9]  }
0x31: {  	[smem:$0x3FB2] =	sst s10  }
0x32: {  	s10 =	sld [smem:$0x3FB0];
	_ =	sdelay $0x3  }
0x33: {  	p0 =	seq.s32 s10, $0x1;
	s10 =	sld [smem:$0x3FB2];
	_ =	sdelay $0x3  }
0x34: {  	[smem:$0x3FB2] =	sst s10  }
0x35: {  	s10 =	sld [smem:$0x3FB1];
	_ =	sdelay $0x3  }
0x36: {  	p1 =	seq.s32 s10, $0x1;
	s10 =	sld [smem:$0x3FB2];
	_ =	sdelay $0x3  }
0x37: {  	[smem:$0x3FB2] =	sst s10  }
0x38: {  	s10 =	sld [smem:$0x3FB3]  }
0x39: {  	_ = 	snop;
	(pc) =	sbr.ind lr, $3  }
0x3a: {  	_ = 	snop  }
0x3b: {  	_ = 	snop  }
0x3c: {  	p2 =	seq.s32 s10, $0x1;
	s10 =	sld [smem:$0x3FB2]  }
0x3d: {  	_ =	shalt  }
0x3e: {  	_ =	shalt  }
0x3f: {  	_ =	shalt  }
0x40: {  	_ =	shalt  }
0x41: {  	_ =	shalt  }
0x42: {  	_ =	shalt  }
0x43: {  	_ =	shalt  }
0x44: {  	_ =	shalt  }
0x45: {  	_ =	shalt  }
0x46: {  	_ =	shalt  }
0x47: {  	_ =	shalt  }
0x48: {  	_ =	shalt  }
0x49: {  	_ =	shalt  }
0x4a: {  	_ =	shalt  }
0x4b: {  	_ =	shalt  }
0x4c: {  	_ =	shalt  }
0x4d: {  	_ =	shalt  }
0x4e: {  	_ =	shalt  }
0x4f: {  	_ =	shalt  }
0x50: {  	_ =	shalt  }
0x51: {  	_ =	shalt  }
0x52: {  	_ =	shalt  }
0x53: {  	_ =	shalt  }
0x54: {  	_ =	shalt  }
0x55: {  	_ =	shalt  }
0x56: {  	_ =	shalt  }
0x57: {  	_ =	shalt  }
0x58: {  	_ =	shalt  }
0x59: {  	_ =	shalt  }
0x5a: {  	_ =	shalt  }
0x5b: {  	_ =	shalt  }
0x5c: {  	_ =	shalt  }
0x5d: {  	_ =	shalt  }
0x5e: {  	_ =	shalt  }
0x5f: {  	_ =	shalt  }
0x60: {  	_ =	shalt  }
0x61: {  	_ =	shalt  }
0x62: {  	_ =	shalt  }
0x63: {  	_ =	shalt  }
0x64: {  	_ =	shalt  }
0x65: {  	_ =	shalt  }
0x66: {  	_ =	shalt  }
0x67: {  	_ =	shalt  }
0x68: {  	_ =	shalt  }
0x69: {  	_ =	shalt  }
0x6a: {  	_ =	shalt  }
0x6b: {  	_ =	shalt  }
0x6c: {  	_ =	shalt  }
0x6d: {  	_ =	shalt  }
0x6e: {  	_ =	shalt  }
0x6f: {  	_ =	shalt  }
0x70: {  	_ =	shalt  }
0x71: {  	_ =	shalt  }
0x72: {  	_ =	shalt  }
0x73: {  	_ =	shalt  }
0x74: {  	_ =	shalt  }
0x75: {  	_ =	shalt  }
0x76: {  	_ =	shalt  }
0x77: {  	_ =	shalt  }
0x78: {  	_ =	shalt  }
0x79: {  	_ =	shalt  }
0x7a: {  	_ =	shalt  }
0x7b: {  	_ =	shalt  }
0x7c: {  	_ =	shalt  }
0x7d: {  	_ =	shalt  }
0x7e: {  	_ =	shalt  }
0x7f: {  	_ =	shalt  }
0x80: {  	_ =	shalt  }
0x81: {  	_ =	shalt  }
0x82: {  	_ =	shalt  }
0x83: {  	_ =	shalt  }
0x84: {  	_ =	shalt  }
0x85: {  	_ =	shalt  }
0x86: {  	_ =	shalt  }
0x87: {  	_ =	shalt  }
.Lfunc_end0:
.L_simem_size_0:
called_computation.4_lowered:
.L_overlay_start_0:
0x88: {  	s2 =	sld [smem:$0x3FD9]  }
0x89: {  	s3 =	sld [smem:$0x3FFE];
	_ =	sdelay $0x1  }
0x8a: {  	s1 =	srdreg.scid  }
0x8b: {  	s0 =	sand.u32 $0x1, s1  }
0x8c: {  	s17 =	sshll.u32 s0, $0xA;
	s2 =	sadd.s32 s3, s2  }
0x8d: {  	s2 =	sadd.s32 s2, s17  }
0x8e: {  	[smem:$0x3FBE] =	sst s2  }
0x8f: {  	_ = 	snop  }
0x90: {  	s2 =	sld [smem:$0x3FD0];
	(tm) =	ssettm $0x1  }
0x91: {  	s18 =	sld [smem:$0x3FFB];
	_ =	sdelay $0x3  }
0x92: {  	_ =	strace s18  }
0x93: {  	s3 =	sld [smem:$0x3FFC];
	_ =	sdelay $0x3  }
0x94: {  	_ =	strace s3  }
0x95: {  	s3 =	sld [smem:$0x3FFD];
	_ =	sdelay $0x3  }
0x96: {  	_ =	strace s3  }
0x97: {  	_ =	strace $0x8FFFFFFF  }
0x98: {  	s19 =	sld [smem:$0x3FDB];
	_ =	sdelay $0x1  }
0x99: {  	s4 =	simm.s32 $_scs_section_size  }
0x9a: {  	s5 =	simm.s32 $_size__tile_overlayer_lowered;
	s6 =	simm.s32 $_tile_overlayer_lowered  }
0x9b: {  	s22 =	simm.s32 $0x1BFF;
	s21 =	sshll.u32 s6, $0x1;
	s3 =	sadd.s32 s4, s19  }
0x9c: {  	s7 =	simm.s32 $0x0;
	s20 =	sshll.u32 s5, $0x1;
	s5 =	sadd.s32 s21, s3  }
0x9d: {  	[timem:s7], [sflag:s22] =	dma.local [hbm:s5], s20  }
0x9e: {  	_ =	swait.ge [sflag:s22], s20  }
0x9f: {  	s4 =	ssub.s32 $0x0, s20;
	[sflag:s22] =	ssyncset.done $0x0  }
0xa0: {  	[sflag:s22] =	ssyncadd.s32 s4;
	_ =	sdelay $0x1  }
0xa1: {  	s23 =	simm.s32 $0x1B8B  }
0xa2: {  	_ =	swait.ge [sflag:s23], $0x1  }
0xa3: {  	[sflag:s23] =	ssyncset.done $0x0  }
0xa4: {  	s25 =	simm.s32 $0x1B8E;
	s24 =	sld [smem:$0x3FFE];
	[sflag:s23] =	ssyncadd.s32 $0xFFFFFFFF  }
0xa5: {  	s26 =	simm.s32 $execute0_lowered;
	[smem:$0x3FD2] =	sst s25  }
0xa6: {  	s5 =	sshll.u32 s26, $0x1;
	_ =	strace $0x80000052;
	[dreg:$0x1] =	wrdreg $0xFFFFFFFF  }
0xa7: {  	s28 =	simm.s32 $_size_execute0_lowered;
	s3 =	sadd.s32 s3, s5;
	[dreg:$0x0] =	wrdreg $0x0  }
0xa8: {  	s5 =	sshll.u32 s28, $0x1;
	[dreg:$0x2] =	wrdreg s3  }
0xa9: {  	[dreg:$0x3] =	wrdreg s5  }
0xaa: {  	[dreg:$0x4] =	wrdreg $0xC0  }
0xab: {  	_ =	task [dreg:s7], $0x5FFFF  }
0xac: {  	[dreg:$0x1] =	wrdreg $0xFFFFFFFF  }
0xad: {  	[dreg:$0x0] =	wrdreg $0x60  }
0xae: {  	[dreg:$0x2] =	wrdreg s2  }
0xaf: {  	[dreg:$0x3] =	wrdreg s24  }
0xb0: {  	[dreg:$0x4] =	wrdreg $0x90000  }
0xb1: {  	[dreg:$0x5] =	wrdreg $0x9  }
0xb2: {  	_ =	task.clear_ibuf [dreg:s7], $0x6FFFF;
	_ =	strace $0x90000052  }
0xb3: {  	s29 =	simm.s32 $0x9;
	_ =	strace $0x80000054  }
0xb4: {  	_ =	swait.ge [sflag:s29], $0x1  }
0xb5: {  	[sflag:s29] =	ssyncadd.s32 $0xFFFFFFFF  }
0xb6: {  	_ =	strace $0x90000054  }
0xb7: {  	_ =	sfence  }
0xb8: {  	s30 =	sld [smem:$0x0];
	_ =	sdelay $0x2  }
0xb9: {  	s31 =	sshll.u32 s1, $0xD;
	s1 =	sshrl.u32 s1, $0x2  }
0xba: {  	s3 =	sand.u32 $0x4000, s31;
	s1 =	sadd.s32 s1, s30  }
0xbb: {  	s0 =	sor.u32 s3, s0;
	s1 =	sshll.u32 s1, $0x11  }
0xbc: {  	s0 =	sor.u32 s1, s0  }
0xbd: {  	s0 =	sadd.s32 $0x8F2B, s0  }
0xbe: {  	[sflag:s0] =	ssyncadd.remote.s32 $0x1  }
0xbf: {  	_ =	sfence.sel $0xFFFF  }
0xc0: {  	[dreg:$0x0] =	wrdreg $0xFFFFFFFF;
	(pc) =	sbr.abs _section_cstart, $3  }
0xc1: {  	[dreg:$0x1] =	wrdreg $0xFFFFFFFF  }
0xc2: {  	_ =	task.clear_ibuf [dreg:s7], $0x2FFFF;
	_ =	strace $0x9FFFFFFF  }
0xc3: {  	(tm) =	ssettm $0x7FFFFFFF  }
tec
execute0_lowered:
.L_overlay_start_1:
0x0: {  	(tag) =	ssettag $0x1  }
0x1: {  	s1 =	rddreg [dreg:$0x0]  }
0x2: {  	s2 =	srdreg.scid;
	s6 =	rddreg [dreg:$0x1]  }
0x3: {  	s0 =	stileid.u32;
	s3 =	rddreg [dreg:$0x2];
	s4 =	simm.s32 $0x0  }
0x4: {  	s14 =	simm.s32 $0x80;
	s15 =	simm.s32 $0x5000;
	s16 =	simm.s32 $0x1  }
0x5: {  	s17 =	simm.s32 $0x0;
	s5 =	sand.u32 $0x1, s2;
	s9 =	smul.u32 $0xA000, s0  }
0x6: {  	s29 =	sshll.u32 s0, $0x1;
	[smem:$0x7FF] =	sst s4;
	s11 =	smul.u32 $0x28000, s0  }
0x7: {  	s12 =	sshll.u32 s0, $0x6;
	s2 =	sor.u32 s5, s29;
	s8 =	smul.u32 $0xA0000, s5  }
0x8: {  	s30 =	ssub.s32 $0x2, s5;
	s5 =	sadd.s32 $0x18600, s6;
	s12 =	sor.u32 $0x1C02, s12  }
0x9: {  	s7 =	smul.u32 $0x500, s2;
	s2 =	rddreg [dreg:$0x3];
	_ =	strace $0x80000053  }
0xa: {  	s10 =	sshrl.u32 s30, $0x1;
	s31 =	sshrl.u32 s11, $0x2;
	s11 =	simm.s32 $0x2800  }
0xb: {  	s8 =	sadd.s32 s9, s8;
	s9 =	ssub.s32 s30, s10;
	s13 =	sadd.s32 s31, s3  }
0xc: {  	s10 =	simm.s32 $0x2;
	s7 =	sadd.s32 s7, s6;
	s8 =	sshrl.u32 s8, $0x3  }
0xd: {  	s9 =	smax.u32 s9, $0x1;
	s13 =	sshrl.u32 s13, $0x3;
	s8 =	sadd.s32 s8, s6  }
0xe: {  	s6 =	sadd.s32 $0xE600, s7;
	s7 =	sadd.s32 $0x4600, s7;
	s8 =	sadd.s32 $0x1AE00, s8  }
.LBB2_1:
0xf: {  	[tilespmem:s4], [sflag:$0x2] =	stream.linear.gather [hbm4b:s6+s4], $0x2780, $0x38;
	[tilespmem:$0x13000] =	vst v63  }
0x10: {  	_ =	swait.ge [sflag:s10], $0x2780  }
0x11: {  	[sflag:s10] =	ssyncset.done $0x0  }
0x12: {  	[sflag:s10] =	ssyncadd.s32 $0xFFFFD880  }
0x13: {  	[tilespmem:s11], [sflag:$0x2] =	stream.linear.gather [hbm4b:s7+s4], $0x2780, $0x38;
	[tilespmem:$0x13000] =	vst v63  }
0x14: {  	_ =	swait.ge [sflag:s10], $0x2780  }
0x15: {  	[sflag:s10] =	ssyncset.done $0x0  }
0x16: {  	[sflag:s10] =	ssyncadd.s32 $0xFFFFD880  }
0x17: {  	[spmem:s13], [sflag:s12] =	dma.local [hbm:s5], $0x1400  }
0x18: {  	_ =	swait.ge [sflag:s10], $0x1400  }
0x19: {  	[sflag:s10] =	ssyncset.done $0x0  }
0x1a: {  	[sflag:s10] =	ssyncadd.s32 $0xFFFFEC00  }
0x1b: {  	s18 =	simm.s32 $0x0;
	[bflag:$0x0] =	sbarrier.arrive $0xFFFF  }
0x1c: {  	[tilespmem:s15], [sflag:$0x1] =	stream.indirect.gather [hbm4b:s1+s14], $0x80, s18, s14, $0xb8;
	[tilespmem:$0x13000] =	vst v63  }
0x1d: {  	_ =	swait.ge [sflag:s16], $0x4000  }
0x1e: {  	[sflag:s16] =	ssyncset.done $0x0  }
0x1f: {  	s31 =	simm.s32 $0x2800;
	[sflag:s16] =	ssyncadd.s32 $0xFFFFC000  }
0x20: {  	[spmem:s3] =	stream.indirect.scatter.add.f32 [tilespmem:s15], [sflag:$0x2], $0x80, s31, s14, $0xb8;
	[tilespmem:$0x13000] =	vst v63  }
0x21: {  	_ =	swait.ge [sflag:s10], $0x4000  }
0x22: {  	s19 =	simm.s32 $0x400;
	s18 =	simm.s32 $0x200;
	[sflag:s10] =	ssyncset.done $0x0  }
.LBB2_2:
0x23: {  	s20 =	sshra.s32 s18, $0x2  }
0x24: {  	[sflag:s10] =	ssyncadd.s32 $0xFFFFC000;
	s18 =	smov.u32 s19;
	s21 =	sadd.s32 $0x200, s19  }
0x25: {  	[tilespmem:s15], [sflag:$0x1] =	stream.indirect.gather [hbm4b:s1+s14], $0x80, s20, s14, $0xb8;
	[tilespmem:$0x13000] =	vst v63  }
0x26: {  	p0 =	sne.s32 s19, $0x9C00;
	_ =	swait.ge [sflag:s16], $0x4000  }
.Ltmp0:
0x27: {  	[sflag:s16] =	ssyncset.done $0x0;
	(pc) =	sbr.rel @p0 .LBB2_2-.Ltmp0, $4  }
0x28: {  	s19 =	sadd.s32 $0x2800, s20;
	[sflag:s16] =	ssyncadd.s32 $0xFFFFC000  }
0x29: {  	[spmem:s3] =	stream.indirect.scatter.add.f32 [tilespmem:s15], [sflag:$0x2], $0x80, s19, s14, $0xb8;
	[tilespmem:$0x13000] =	vst v63  }
0x2a: {  	_ =	swait.ge [sflag:s10], $0x4000  }
0x2b: {  	s19 =	smov.u32 s21;
	[sflag:s10] =	ssyncset.done $0x0  }
0x2c: {  	s18 =	sshra.s32 s18, $0x2;
	[sflag:s10] =	ssyncadd.s32 $0xFFFFC000  }
0x2d: {  	[tilespmem:s15], [sflag:$0x1] =	stream.indirect.gather [hbm4b:s1+s14], $0x80, s18, s14, $0xb8;
	[tilespmem:$0x13000] =	vst v63  }
0x2e: {  	_ =	swait.ge [sflag:s16], $0x4000  }
0x2f: {  	[sflag:s16] =	ssyncset.done $0x0  }
0x30: {  	s18 =	sadd.s32 $0x2800, s18;
	[sflag:s16] =	ssyncadd.s32 $0xFFFFC000  }
0x31: {  	[spmem:s3] =	stream.indirect.scatter.add.f32 [tilespmem:s15], [sflag:$0x2], $0x80, s18, s14, $0xb8;
	[tilespmem:$0x13000] =	vst v63  }
0x32: {  	_ =	swait.ge [sflag:s10], $0x4000  }
0x33: {  	s17 =	sadd.s32 $0x1, s17;
	[sflag:s10] =	ssyncset.done $0x0  }
0x34: {  	p0 =	sne.s32 s17, s9;
	[sflag:s10] =	ssyncadd.s32 $0xFFFFC000  }
.Ltmp1:
0x35: {  	[bflag:$0x0] =	sbarrier.arrive $0xFFFF;
	(pc) =	sbr.rel @p0 .LBB2_1-.Ltmp1, $4  }
0x36: {  	[hbm:s8], [sflag:s12] =	dma.local [spmem:s13], $0x1400  }
0x37: {  	_ =	swait.ge [sflag:s10], $0x1400  }
0x38: {  	[sflag:s10] =	ssyncset.done $0x0  }
0x39: {  	[sflag:s10] =	ssyncadd.s32 $0xFFFFEC00  }
0x3a: {  	_ =	sfence.sel $0x180000  }
0x3b: {  	[bflag:$0x0] =	sbarrier.arrive $0xFFFF  }
0x3c: {  	p0 =	sne.s32 s0, $0x0;
	_ =	strace $0x90000053  }
0x3d: {  	s0 =	sadd.s32 @!p0 $0x100000, s2;
	[bflag:$0x2] =	sbarrier.arrive $0xFFFF  }
0x3e: {  	[sflag:s0] =	ssyncadd.tile.s32 @!p0 $0x1;
	_ =	shalt  }
.Lfunc_end2:
_tile_overlayer_lowered:
.L_overlay_start_2:
0x3f: {  	(tag) =	ssettag $0x2  }
0x40: {  	s0 =	rddreg [dreg:$0x0];
	s2 =	stileid.u32  }
0x41: {  	s1 =	rddreg [dreg:$0x1];
	p0 =	sne.s32 s2, $0x0  }
0x42: {  	s3 =	rddreg [dreg:$0x2];
	[bflag:$0x3] =	sbarrier.arrive $0xFFFF;
	s2 =	simm.s32 @!p0 $0x1C02  }
0x43: {  	[timem:s3], [sflag:s2] =	dma.local @!p0 [hbm:s0], s1  }
0x44: {  	s0 =	simm.s32 @!p0 $0x2  }
0x45: {  	_ =	swait.ge @!p0 [sflag:s0], s1  }
0x46: {  	s1 =	ssub.s32 @!p0 $0x0, s1;
	[sflag:s0] =	ssyncset.done @!p0 $0x0  }
0x47: {  	[sflag:s0] =	ssyncadd.s32 @!p0 s1  }
0x48: {  	[bflag:$0x3] =	sbarrier.arrive $0xFFFF  }
0x49: {  	_ =	shalt  }

// kernel: kernel.27.cloned.1.call-start
scs
__scs_entry_jumppad:
0x0: {  	(pc) =	sbr.rel $0x88, $3  }
0x1: {  	(tag) =	ssettag $0x0;
	lr =	simm.s32 $0x1  }
0x2: {  	[smem:$0x3F97] =	sst lr;
	_ =	strace $0xD0000000  }
0x3: {  	_ = 	snop  }
0x4: {  	_ = 	snop  }
0x5: {  	_ = 	snop  }
0x6: {  	_ = 	snop  }
0x7: {  	_ = 	snop  }
__scs_overlays_trampoline_lowered:
0x8: {  	[smem:$0x3FA6] =	sst s0  }
0x9: {  	[smem:$0x3FA7] =	sst s1  }
0xa: {  	[smem:$0x3FA8] =	sst s2  }
0xb: {  	[smem:$0x3FA9] =	sst s3  }
0xc: {  	[smem:$0x3FAA] =	sst s4  }
0xd: {  	[smem:$0x3FAB] =	sst s5  }
0xe: {  	[smem:$0x3FAC] =	sst s6  }
0xf: {  	[smem:$0x3FAD] =	sst s7  }
0x10: {  	[smem:$0x3FAE] =	sst s8  }
0x11: {  	[smem:$0x3FAF] =	sst s9;
	s0 =	simm.s32 @!p0 $0x0  }
0x12: {  	s1 =	sld [smem:$0x3F95];
	s0 =	simm.s32 @p0 $0x1  }
0x13: {  	[smem:$0x3FB0] =	sst s0;
	s0 =	simm.s32 @!p1 $0x0  }
0x14: {  	s2 =	sld [smem:$0x3F94];
	s0 =	simm.s32 @p1 $0x1  }
0x15: {  	[smem:$0x3FB1] =	sst s0;
	s0 =	simm.s32 @!p2 $0x0  }
0x16: {  	s3 =	sld [smem:$0x3FDB];
	s0 =	simm.s32 @p2 $0x1  }
0x17: {  	s4 =	simm.s32 $0x1BF5;
	[smem:$0x3FB3] =	sst s0  }
0x18: {  	s0 =	sld [smem:$0x3F96];
	_ =	swait.ge [sflag:s4], $0x0  }
0x19: {  	s7 =	sld [smem:$0x3F97]  }
0x1a: {  	s8 =	sadd.s32 $0xFFFFE003, lr  }
0x1b: {  	s9 =	sadd.s32 $0xFFFFFEF7, lr;
	s5 =	simm.s32 $0xFFFFFFFF;
	p2 =	slt.u32 s8, $0xFFFFF086  }
0x1c: {  	p1 =	slt.u32 s9, $0xF7A;
	s5 =	simm.s32 @!p2 $0x0  }
0x1d: {  	s5 =	simm.s32 @p1 $0x1;
	p0 =	seq.s32 s7, s2  }
0x1e: {  	s7 =	smul.u32 @!p0 $0xF7A, s2;
	p2 =	seq.s32 @!p0 s5, $0x0  }
0x1f: {  	s9 =	smul.u32 $0xF7A, s1;
	s8 =	simm.s32 @!p0 $0x1BF5;
	p2 =	por !p2, p0  }
0x20: {  	[sflag:s8] =	ssyncset.s32 @!p0 $0xFFFFF086;
	s6 =	sadd.s32 @!p0 s3, s7;
	s7 =	simm.s32 @!p0 $0x108  }
0x21: {  	s3 =	sadd.s32 s3, s9;
	s6 =	sadd.s32 @!p0 $0x88, s6;
	s7 =	simm.s32 @p2 $0x1082  }
0x22: {  	[simem:s7], [sflag:s8] =	dma.local @!p0 [hbm:s6], $0xF7A  }
0x23: {  	s9 =	sor.u32 $0xD0000000, s2;
	s6 =	simm.s32 $0x108;
	_ =	swait.ge @!p0 [sflag:s8], $0x0  }
0x24: {  	s3 =	sadd.s32 $0x88, s3;
	s6 =	simm.s32 @!p1 $0x1082;
	[sflag:s4] =	ssyncset.s32 $0xFFFFF086  }
0x25: {  	[simem:s6], [sflag:s4] =	dma.local [hbm:s3], $0xF7A  }
0x26: {  	[smem:$0x3F97] =	sst s1;
	(tag) =	ssettag s2;
	_ =	strace s9  }
0x27: {  	s1 =	sld [smem:$0x3FA7]  }
0x28: {  	s2 =	sld [smem:$0x3FA8]  }
0x29: {  	s4 =	sld [smem:$0x3FAA]  }
0x2a: {  	p0 =	seq.s32 s5, $0x0;
	s5 =	sld [smem:$0x3FAB]  }
0x2b: {  	s6 =	sld [smem:$0x3FAC]  }
0x2c: {  	s7 =	sld [smem:$0x3FAD]  }
0x2d: {  	s3 =	simm.s32 $0x108;
	s8 =	sld [smem:$0x3FAE]  }
0x2e: {  	s3 =	simm.s32 @!p0 $0x1082;
	s9 =	sld [smem:$0x3FAF]  }
0x2f: {  	lr =	sadd.s32 s0, s3;
	s0 =	sld [smem:$0x3FA6]  }
0x30: {  	s3 =	sld [smem:$0x3FA9]  }
0x31: {  	[smem:$0x3FB2] =	sst s10  }
0x32: {  	s10 =	sld [smem:$0x3FB0];
	_ =	sdelay $0x3  }
0x33: {  	p0 =	seq.s32 s10, $0x1;
	s10 =	sld [smem:$0x3FB2];
	_ =	sdelay $0x3  }
0x34: {  	[smem:$0x3FB2] =	sst s10  }
0x35: {  	s10 =	sld [smem:$0x3FB1];
	_ =	sdelay $0x3  }
0x36: {  	p1 =	seq.s32 s10, $0x1;
	s10 =	sld [smem:$0x3FB2];
	_ =	sdelay $0x3  }
0x37: {  	[smem:$0x3FB2] =	sst s10  }
0x38: {  	s10 =	sld [smem:$0x3FB3]  }
0x39: {  	_ = 	snop;
	(pc) =	sbr.ind lr, $3  }
0x3a: {  	_ = 	snop  }
0x3b: {  	_ = 	snop  }
0x3c: {  	p2 =	seq.s32 s10, $0x1;
	s10 =	sld [smem:$0x3FB2]  }
0x3d: {  	_ =	shalt  }
0x3e: {  	_ =	shalt  }
0x3f: {  	_ =	shalt  }
0x40: {  	_ =	shalt  }
0x41: {  	_ =	shalt  }
0x42: {  	_ =	shalt  }
0x43: {  	_ =	shalt  }
0x44: {  	_ =	shalt  }
0x45: {  	_ =	shalt  }
0x46: {  	_ =	shalt  }
0x47: {  	_ =	shalt  }
0x48: {  	_ =	shalt  }
0x49: {  	_ =	shalt  }
0x4a: {  	_ =	shalt  }
0x4b: {  	_ =	shalt  }
0x4c: {  	_ =	shalt  }
0x4d: {  	_ =	shalt  }
0x4e: {  	_ =	shalt  }
0x4f: {  	_ =	shalt  }
0x50: {  	_ =	shalt  }
0x51: {  	_ =	shalt  }
0x52: {  	_ =	shalt  }
0x53: {  	_ =	shalt  }
0x54: {  	_ =	shalt  }
0x55: {  	_ =	shalt  }
0x56: {  	_ =	shalt  }
0x57: {  	_ =	shalt  }
0x58: {  	_ =	shalt  }
0x59: {  	_ =	shalt  }
0x5a: {  	_ =	shalt  }
0x5b: {  	_ =	shalt  }
0x5c: {  	_ =	shalt  }
0x5d: {  	_ =	shalt  }
0x5e: {  	_ =	shalt  }
0x5f: {  	_ =	shalt  }
0x60: {  	_ =	shalt  }
0x61: {  	_ =	shalt  }
0x62: {  	_ =	shalt  }
0x63: {  	_ =	shalt  }
0x64: {  	_ =	shalt  }
0x65: {  	_ =	shalt  }
0x66: {  	_ =	shalt  }
0x67: {  	_ =	shalt  }
0x68: {  	_ =	shalt  }
0x69: {  	_ =	shalt  }
0x6a: {  	_ =	shalt  }
0x6b: {  	_ =	shalt  }
0x6c: {  	_ =	shalt  }
0x6d: {  	_ =	shalt  }
0x6e: {  	_ =	shalt  }
0x6f: {  	_ =	shalt  }
0x70: {  	_ =	shalt  }
0x71: {  	_ =	shalt  }
0x72: {  	_ =	shalt  }
0x73: {  	_ =	shalt  }
0x74: {  	_ =	shalt  }
0x75: {  	_ =	shalt  }
0x76: {  	_ =	shalt  }
0x77: {  	_ =	shalt  }
0x78: {  	_ =	shalt  }
0x79: {  	_ =	shalt  }
0x7a: {  	_ =	shalt  }
0x7b: {  	_ =	shalt  }
0x7c: {  	_ =	shalt  }
0x7d: {  	_ =	shalt  }
0x7e: {  	_ =	shalt  }
0x7f: {  	_ =	shalt  }
0x80: {  	_ =	shalt  }
0x81: {  	_ =	shalt  }
0x82: {  	_ =	shalt  }
0x83: {  	_ =	shalt  }
0x84: {  	_ =	shalt  }
0x85: {  	_ =	shalt  }
0x86: {  	_ =	shalt  }
0x87: {  	_ =	shalt  }
.Lfunc_end0:
.L_simem_size_0:
called_computation.5_lowered:
.L_overlay_start_0:
0x88: {  	s2 =	sld [smem:$0x3FD9]  }
0x89: {  	s3 =	sld [smem:$0x3FFE];
	_ =	sdelay $0x1  }
0x8a: {  	s1 =	srdreg.scid  }
0x8b: {  	s0 =	sand.u32 $0x1, s1  }
0x8c: {  	s17 =	sshll.u32 s0, $0xA;
	s2 =	sadd.s32 s3, s2  }
0x8d: {  	s2 =	sadd.s32 s2, s17  }
0x8e: {  	[smem:$0x3FBE] =	sst s2  }
0x8f: {  	_ = 	snop  }
0x90: {  	s2 =	sld [smem:$0x3FD0];
	(tm) =	ssettm $0x1  }
0x91: {  	s18 =	sld [smem:$0x3FFB];
	_ =	sdelay $0x3  }
0x92: {  	_ =	strace s18  }
0x93: {  	s3 =	sld [smem:$0x3FFC];
	_ =	sdelay $0x3  }
0x94: {  	_ =	strace s3  }
0x95: {  	s3 =	sld [smem:$0x3FFD];
	_ =	sdelay $0x3  }
0x96: {  	_ =	strace s3  }
0x97: {  	_ =	strace $0x8FFFFFFF  }
0x98: {  	s19 =	sld [smem:$0x3FDB];
	_ =	sdelay $0x1  }
0x99: {  	s4 =	simm.s32 $_scs_section_size  }
0x9a: {  	s5 =	simm.s32 $_size__tile_overlayer_lowered;
	s6 =	simm.s32 $_tile_overlayer_lowered  }
0x9b: {  	s22 =	simm.s32 $0x1BFF;
	s21 =	sshll.u32 s6, $0x1;
	s3 =	sadd.s32 s4, s19  }
0x9c: {  	s7 =	simm.s32 $0x0;
	s20 =	sshll.u32 s5, $0x1;
	s5 =	sadd.s32 s21, s3  }
0x9d: {  	[timem:s7], [sflag:s22] =	dma.local [hbm:s5], s20  }
0x9e: {  	_ =	swait.ge [sflag:s22], s20  }
0x9f: {  	s4 =	ssub.s32 $0x0, s20;
	[sflag:s22] =	ssyncset.done $0x0  }
0xa0: {  	[sflag:s22] =	ssyncadd.s32 s4;
	_ =	sdelay $0x1  }
0xa1: {  	s23 =	simm.s32 $0x1B8B  }
0xa2: {  	_ =	swait.ge [sflag:s23], $0x1  }
0xa3: {  	[sflag:s23] =	ssyncset.done $0x0  }
0xa4: {  	s25 =	simm.s32 $0x1B8E;
	s24 =	sld [smem:$0x3FFE];
	[sflag:s23] =	ssyncadd.s32 $0xFFFFFFFF  }
0xa5: {  	s26 =	simm.s32 $execute0_lowered;
	[smem:$0x3FD2] =	sst s25  }
0xa6: {  	s5 =	sshll.u32 s26, $0x1;
	_ =	strace $0x80000055;
	[dreg:$0x1] =	wrdreg $0xFFFFFFFF  }
0xa7: {  	s28 =	simm.s32 $_size_execute0_lowered;
	s3 =	sadd.s32 s3, s5;
	[dreg:$0x0] =	wrdreg $0x0  }
0xa8: {  	s5 =	sshll.u32 s28, $0x1;
	[dreg:$0x2] =	wrdreg s3  }
0xa9: {  	[dreg:$0x3] =	wrdreg s5  }
0xaa: {  	[dreg:$0x4] =	wrdreg $0xC0  }
0xab: {  	_ =	task [dreg:s7], $0x5FFFF  }
0xac: {  	[dreg:$0x1] =	wrdreg $0xFFFFFFFF  }
0xad: {  	[dreg:$0x0] =	wrdreg $0x60  }
0xae: {  	[dreg:$0x2] =	wrdreg s2  }
0xaf: {  	[dreg:$0x3] =	wrdreg s24  }
0xb0: {  	[dreg:$0x4] =	wrdreg $0x90000  }
0xb1: {  	[dreg:$0x5] =	wrdreg $0x9  }
0xb2: {  	_ =	task.clear_ibuf [dreg:s7], $0x6FFFF;
	_ =	strace $0x90000055  }
0xb3: {  	s29 =	simm.s32 $0x9;
	_ =	strace $0x80000057  }
0xb4: {  	_ =	swait.ge [sflag:s29], $0x1  }
0xb5: {  	[sflag:s29] =	ssyncadd.s32 $0xFFFFFFFF  }
0xb6: {  	_ =	strace $0x90000057  }
0xb7: {  	_ =	sfence  }
0xb8: {  	s30 =	sld [smem:$0x0];
	_ =	sdelay $0x2  }
0xb9: {  	s31 =	sshll.u32 s1, $0xD;
	s1 =	sshrl.u32 s1, $0x2  }
0xba: {  	s3 =	sand.u32 $0x4000, s31;
	s1 =	sadd.s32 s1, s30  }
0xbb: {  	s0 =	sor.u32 s3, s0;
	s1 =	sshll.u32 s1, $0x11  }
0xbc: {  	s0 =	sor.u32 s1, s0  }
0xbd: {  	s0 =	sadd.s32 $0x8F2B, s0  }
0xbe: {  	[sflag:s0] =	ssyncadd.remote.s32 $0x1  }
0xbf: {  	_ =	sfence.sel $0xFFFF  }
0xc0: {  	[dreg:$0x0] =	wrdreg $0xFFFFFFFF;
	(pc) =	sbr.abs _section_cstart, $3  }
0xc1: {  	[dreg:$0x1] =	wrdreg $0xFFFFFFFF  }
0xc2: {  	_ =	task.clear_ibuf [dreg:s7], $0x2FFFF;
	_ =	strace $0x9FFFFFFF  }
0xc3: {  	(tm) =	ssettm $0x7FFFFFFF  }
tec
execute0_lowered:
.L_overlay_start_1:
0x0: {  	(tag) =	ssettag $0x1  }
0x1: {  	s1 =	rddreg [dreg:$0x0]  }
0x2: {  	s2 =	srdreg.scid;
	s6 =	rddreg [dreg:$0x1]  }
0x3: {  	s0 =	stileid.u32;
	s3 =	rddreg [dreg:$0x2];
	s4 =	simm.s32 $0x0  }
0x4: {  	s14 =	simm.s32 $0x80;
	s15 =	simm.s32 $0x5000;
	s16 =	simm.s32 $0x1  }
0x5: {  	s17 =	simm.s32 $0x0;
	s5 =	sand.u32 $0x1, s2;
	s9 =	smul.u32 $0x13C00, s0  }
0x6: {  	s29 =	sshll.u32 s0, $0x1;
	[smem:$0x7FF] =	sst s4;
	s11 =	smul.u32 $0x4F000, s0  }
0x7: {  	s12 =	sshll.u32 s0, $0x6;
	s2 =	sor.u32 s5, s29;
	s8 =	smul.u32 $0x13C000, s5  }
0x8: {  	s30 =	ssub.s32 $0x2, s5;
	s5 =	sadd.s32 $0x18600, s6;
	s12 =	sor.u32 $0x1C02, s12  }
0x9: {  	s7 =	smul.u32 $0x500, s2;
	s2 =	rddreg [dreg:$0x3];
	_ =	strace $0x80000056  }
0xa: {  	s10 =	sshrl.u32 s30, $0x1;
	s31 =	sshrl.u32 s11, $0x2;
	s11 =	simm.s32 $0x2800  }
0xb: {  	s8 =	sadd.s32 s9, s8;
	s9 =	ssub.s32 s30, s10;
	s13 =	sadd.s32 s31, s3  }
0xc: {  	s10 =	simm.s32 $0x2;
	s7 =	sadd.s32 s7, s6;
	s8 =	sshrl.u32 s8, $0x3  }
0xd: {  	s9 =	smax.u32 s9, $0x1;
	s13 =	sshrl.u32 s13, $0x3;
	s8 =	sadd.s32 s8, s6  }
0xe: {  	s6 =	sadd.s32 $0xC4600, s7;
	s7 =	sadd.s32 $0x6B600, s7;
	s8 =	sadd.s32 $0x1AE00, s8  }
.LBB2_1:
0xf: {  	[tilespmem:s4], [sflag:$0x2] =	stream.linear.gather [hbm4b:s6+s4], $0x2780, $0x38;
	[tilespmem:$0x1CC00] =	vst v63  }
0x10: {  	_ =	swait.ge [sflag:s10], $0x2780  }
0x11: {  	[sflag:s10] =	ssyncset.done $0x0  }
0x12: {  	[sflag:s10] =	ssyncadd.s32 $0xFFFFD880  }
0x13: {  	[tilespmem:s11], [sflag:$0x2] =	stream.linear.gather [hbm4b:s7+s4], $0x2780, $0x38;
	[tilespmem:$0x1CC00] =	vst v63  }
0x14: {  	_ =	swait.ge [sflag:s10], $0x2780  }
0x15: {  	[sflag:s10] =	ssyncset.done $0x0  }
0x16: {  	[sflag:s10] =	ssyncadd.s32 $0xFFFFD880  }
0x17: {  	[spmem:s13], [sflag:s12] =	dma.local [hbm:s5], $0x2780  }
0x18: {  	_ =	swait.ge [sflag:s10], $0x2780  }
0x19: {  	[sflag:s10] =	ssyncset.done $0x0  }
0x1a: {  	[sflag:s10] =	ssyncadd.s32 $0xFFFFD880  }
0x1b: {  	s18 =	simm.s32 $0x0;
	[bflag:$0x0] =	sbarrier.arrive $0xFFFF  }
0x1c: {  	[tilespmem:s15], [sflag:$0x1] =	stream.indirect.gather [hbm4b:s1+s14], $0x80, s18, s14, $0xb8;
	[tilespmem:$0x1CC00] =	vst v63  }
0x1d: {  	_ =	swait.ge [sflag:s16], $0x4000  }
0x1e: {  	[sflag:s16] =	ssyncset.done $0x0  }
0x1f: {  	s31 =	simm.s32 $0x2800;
	[sflag:s16] =	ssyncadd.s32 $0xFFFFC000  }
0x20: {  	[spmem:s3] =	stream.indirect.scatter.add.f32 [tilespmem:s15], [sflag:$0x2], $0x80, s31, s14, $0xb8;
	[tilespmem:$0x1CC00] =	vst v63  }
0x21: {  	_ =	swait.ge [sflag:s10], $0x4000  }
0x22: {  	s19 =	simm.s32 $0x400;
	s18 =	simm.s32 $0x200;
	[sflag:s10] =	ssyncset.done $0x0  }
.LBB2_2:
0x23: {  	s20 =	sshra.s32 s18, $0x2  }
0x24: {  	[sflag:s10] =	ssyncadd.s32 $0xFFFFC000;
	s18 =	smov.u32 s19;
	s21 =	sadd.s32 $0x200, s19  }
0x25: {  	[tilespmem:s15], [sflag:$0x1] =	stream.indirect.gather [hbm4b:s1+s14], $0x80, s20, s14, $0xb8;
	[tilespmem:$0x1CC00] =	vst v63  }
0x26: {  	p0 =	sne.s32 s19, $0x9C00;
	_ =	swait.ge [sflag:s16], $0x4000  }
.Ltmp0:
0x27: {  	[sflag:s16] =	ssyncset.done $0x0;
	(pc) =	sbr.rel @p0 .LBB2_2-.Ltmp0, $4  }
0x28: {  	s19 =	sadd.s32 $0x2800, s20;
	[sflag:s16] =	ssyncadd.s32 $0xFFFFC000  }
0x29: {  	[spmem:s3] =	stream.indirect.scatter.add.f32 [tilespmem:s15], [sflag:$0x2], $0x80, s19, s14, $0xb8;
	[tilespmem:$0x1CC00] =	vst v63  }
0x2a: {  	_ =	swait.ge [sflag:s10], $0x4000  }
0x2b: {  	s19 =	smov.u32 s21;
	[sflag:s10] =	ssyncset.done $0x0  }
0x2c: {  	s18 =	sshra.s32 s18, $0x2;
	[sflag:s10] =	ssyncadd.s32 $0xFFFFC000  }
0x2d: {  	[tilespmem:s15], [sflag:$0x1] =	stream.indirect.gather [hbm4b:s1+s14], $0x80, s18, s14, $0xb8;
	[tilespmem:$0x1CC00] =	vst v63  }
0x2e: {  	_ =	swait.ge [sflag:s16], $0x4000  }
0x2f: {  	[sflag:s16] =	ssyncset.done $0x0  }
0x30: {  	s18 =	sadd.s32 $0x2800, s18;
	[sflag:s16] =	ssyncadd.s32 $0xFFFFC000  }
0x31: {  	[spmem:s3] =	stream.indirect.scatter.add.f32 [tilespmem:s15], [sflag:$0x2], $0x80, s18, s14, $0xb8;
	[tilespmem:$0x1CC00] =	vst v63  }
0x32: {  	_ =	swait.ge [sflag:s10], $0x4000  }
0x33: {  	s17 =	sadd.s32 $0x1, s17;
	[sflag:s10] =	ssyncset.done $0x0  }
0x34: {  	p0 =	sne.s32 s17, s9;
	[sflag:s10] =	ssyncadd.s32 $0xFFFFC000  }
.Ltmp1:
0x35: {  	[bflag:$0x0] =	sbarrier.arrive $0xFFFF;
	(pc) =	sbr.rel @p0 .LBB2_1-.Ltmp1, $4  }
0x36: {  	[hbm:s8], [sflag:s12] =	dma.local [spmem:s13], $0x2780  }
0x37: {  	_ =	swait.ge [sflag:s10], $0x2780  }
0x38: {  	[sflag:s10] =	ssyncset.done $0x0  }
0x39: {  	[sflag:s10] =	ssyncadd.s32 $0xFFFFD880  }
0x3a: {  	_ =	sfence.sel $0x180000  }
0x3b: {  	[bflag:$0x0] =	sbarrier.arrive $0xFFFF  }
0x3c: {  	p0 =	sne.s32 s0, $0x0;
	_ =	strace $0x90000056  }
0x3d: {  	s0 =	sadd.s32 @!p0 $0x100000, s2;
	[bflag:$0x2] =	sbarrier.arrive $0xFFFF  }
0x3e: {  	[sflag:s0] =	ssyncadd.tile.s32 @!p0 $0x1;
	_ =	shalt  }
.Lfunc_end2:
_tile_overlayer_lowered:
.L_overlay_start_2:
0x3f: {  	(tag) =	ssettag $0x2  }
0x40: {  	s0 =	rddreg [dreg:$0x0];
	s2 =	stileid.u32  }
0x41: {  	s1 =	rddreg [dreg:$0x1];
	p0 =	sne.s32 s2, $0x0  }
0x42: {  	s3 =	rddreg [dreg:$0x2];
	[bflag:$0x3] =	sbarrier.arrive $0xFFFF;
	s2 =	simm.s32 @!p0 $0x1C02  }
0x43: {  	[timem:s3], [sflag:s2] =	dma.local @!p0 [hbm:s0], s1  }
0x44: {  	s0 =	simm.s32 @!p0 $0x2  }
0x45: {  	_ =	swait.ge @!p0 [sflag:s0], s1  }
0x46: {  	s1 =	ssub.s32 @!p0 $0x0, s1;
	[sflag:s0] =	ssyncset.done @!p0 $0x0  }
0x47: {  	[sflag:s0] =	ssyncadd.s32 @!p0 s1  }
0x48: {  	[bflag:$0x3] =	sbarrier.arrive $0xFFFF  }
0x49: {  	_ =	shalt  }

</sc_bundles>
